<compile_context>
chip_gen: v7x
topology: tpu7x:2x2x1
jax: 0.10.2.dev20260603
libtpu: 0.0.44.dev20260713+nightly
codegen_flags: <defaults>
</compile_context>

<pallas_src>
import functools

import jax
import jax.numpy as jnp
from jax import lax
from jax.experimental import pallas as pl
from jax.experimental.pallas import tpu as pltpu
from jax.experimental.pallas import tpu_sc as plsc

L = 16


def _pad16(n):
    return ((n + L - 1) // L) * L


@functools.partial(jax.jit, static_argnames=("B", "A", "E", "NS"))
def _repulsive_sc(elm_flat, eng, edge_n, edge_i, edge_j, sod, eng_atm,
                  radius, *, B, A, E, NS):
    NW = 32
    BP = _pad16(B)
    NSP = _pad16(NS)
    EPW = E // NW
    CE = 2000
    NCH = EPW // CE
    NG = (A + L - 1) // L
    OWN = -(-B // (NW - 7))
    STG = 8

    mesh = plsc.VectorSubcoreMesh(core_axis_name="c", subcore_axis_name="s")

    @functools.partial(
        pl.kernel,
        out_type=jax.ShapeDtypeStruct((NW, BP), jnp.float32),
        mesh=mesh,
        compiler_params=pltpu.CompilerParams(needs_layout_passes=False),
        scratch_types=[
            pltpu.VMEM((NSP,), jnp.float32),
            pltpu.VMEM((NSP,), jnp.float32),
            pltpu.VMEM((BP,), jnp.float32),
            pltpu.VMEM((BP,), jnp.float32),
            pltpu.VMEM((B * A + L,), jnp.float32),
            pltpu.VMEM((STG * A + 8,), jnp.int32),
            pltpu.VMEM((STG * A + 8,), jnp.int32),
            pltpu.VMEM((CE,), jnp.int32),
            pltpu.VMEM((CE,), jnp.int32),
            pltpu.VMEM((CE,), jnp.int32),
            pltpu.VMEM((CE,), jnp.float32),
            pltpu.SemaphoreType.DMA,
        ],
    )
    def k(elm_h, eng_h, en_h, ei_h, ej_h, sod_h, eatm_h, rad_h, out_h,
          rtbl_v, etbl_v, eng_v, res_v, ratm_v, bufa_v, bufb_v,
          n_v, i_v, j_v, sod_v, sem):
        wid = lax.axis_index("s") * 2 + lax.axis_index("c")
        iota = lax.iota(jnp.int32, L)
        lane0 = iota == 0
        zf = jnp.zeros((L,), jnp.float32)
        onesf = jnp.full((L,), 1.0, jnp.float32)

        own_lo = jnp.minimum(wid * OWN, B)
        own_hi = jnp.minimum(own_lo + OWN, B)
        s0_own = jnp.maximum(0, jnp.minimum(own_lo, B - STG))
        base0 = pl.multiple_of(wid * EPW, 8)

        cps = [
            pltpu.async_copy(rad_h, rtbl_v.at[pl.ds(0, NS)], sem),
            pltpu.async_copy(eatm_h, etbl_v.at[pl.ds(0, NS)], sem),
            pltpu.async_copy(eng_h, eng_v.at[pl.ds(0, B)], sem),
            pltpu.async_copy(en_h.at[pl.ds(base0, L)],
                             n_v.at[pl.ds(0, L)], sem),
            pltpu.async_copy(en_h.at[pl.ds(base0 + EPW - L, L)],
                             n_v.at[pl.ds(L, L)], sem),
            pltpu.async_copy(elm_h.at[pl.ds(s0_own * A, STG * A)],
                             bufa_v.at[pl.ds(0, STG * A)], sem),
        ]
        for g in range(BP // L):
            res_v[pl.ds(g * L, L)] = zf
        for cp in cps:
            cp.wait()

        nlo = jnp.min(n_v[pl.ds(0, L)])
        nhi = jnp.max(n_v[pl.ds(L, L)])
        s0_sl = jnp.maximum(0, jnp.minimum(nlo, B - STG))
        cp_sl = pltpu.async_copy(elm_h.at[pl.ds(s0_sl * A, STG * A)],
                                 bufb_v.at[pl.ds(0, STG * A)], sem)

        def esum_one(buf_v, s0):
            def run(b, _):
                off = (b - s0) * A

                def grp(g, acc):
                    v = buf_v[pl.ds(off + g * L, L)]
                    valid = (g * L + iota) < A
                    e = plsc.load_gather(etbl_v, [v], mask=valid)
                    return acc + jnp.where(valid, e, zf)

                acc = lax.fori_loop(0, NG, grp, zf, unroll=7)
                tot = jnp.full((L,), jnp.sum(acc), jnp.float32)
                b16 = jnp.full((L,), b, jnp.int32)
                e16 = plsc.load_gather(eng_v, [b16])
                flag = jnp.where(e16 >= tot, onesf, zf)
                plsc.store_scatter(res_v, [b16], flag, mask=lane0)
                return 0

            return run

        lax.fori_loop(own_lo, own_hi, esum_one(bufa_v, s0_own), 0)

        cp_sl.wait()

        def sl_cond(carry):
            lo, _ = carry
            return lo <= nhi

        def sl_body(carry):
            lo, s0 = carry
            hi_blk = jnp.minimum(lo + STG, nhi + 1)
            lax.fori_loop(lo, hi_blk, esum_one(bufb_v, s0), 0)
            nlo2 = lo + STG
            s02 = jnp.maximum(0, jnp.minimum(nlo2, B - STG))

            @pl.when(nlo2 <= nhi)
            def _():
                pltpu.sync_copy(elm_h.at[pl.ds(s02 * A, STG * A)],
                                bufb_v.at[pl.ds(0, STG * A)])

            return (nlo2, s02)

        lax.while_loop(sl_cond, sl_body, (nlo, s0_sl))

        def range_min(rlo, rhi):
            nseg = (rhi - rlo) // L + 1
            rhi16 = jnp.full((L,), rhi, jnp.int32)

            def seg(s, m):
                probe = jnp.minimum(rlo + s * L + iota, rhi16)
                f = plsc.load_gather(res_v, [probe])
                return jnp.minimum(m, jnp.min(f))

            return lax.fori_loop(0, nseg, seg, jnp.float32(1.0))

        slice_done = range_min(nlo, nhi) > 0.0

        def edge_phase(_):
            def build_one(b, _):
                pltpu.sync_copy(elm_h.at[pl.ds(b * A, A)],
                                bufa_v.at[pl.ds(0, A)])

                def grp(g, _):
                    v = bufa_v[pl.ds(g * L, L)]
                    ratm_v[pl.ds(b * A + g * L, L)] = \
                        plsc.load_gather(rtbl_v, [v])
                    return 0

                lax.fori_loop(0, NG, grp, 0, unroll=7)
                return 0

            lax.fori_loop(nlo, nhi + 1, build_one, 0)

            def chunk_cond(carry):
                c, done = carry
                return jnp.logical_and(c < NCH, jnp.logical_not(done))

            def chunk_body(carry):
                c, done = carry
                base = pl.multiple_of(wid * EPW + c * CE, 8)
                pltpu.async_copy(en_h.at[pl.ds(base, CE)], n_v, sem).wait()
                cmin = jnp.min(n_v[pl.ds(0, L)])
                cmax = jnp.max(n_v[pl.ds(CE - L, L)])
                skippable = range_min(cmin, cmax) > 0.0

                def process(_):
                    cp2 = pltpu.async_copy(ei_h.at[pl.ds(base, CE)], i_v,
                                           sem)
                    cp3 = pltpu.async_copy(ej_h.at[pl.ds(base, CE)], j_v,
                                           sem)
                    cp4 = pltpu.async_copy(sod_h.at[pl.ds(base, CE)],
                                           sod_v, sem)
                    cp2.wait()
                    cp3.wait()
                    cp4.wait()

                    def grp(g, _):
                        n16 = n_v[pl.ds(g * L, L)]
                        i16 = i_v[pl.ds(g * L, L)]
                        j16 = j_v[pl.ds(g * L, L)]
                        s16 = sod_v[pl.ds(g * L, L)]
                        ri = plsc.load_gather(ratm_v, [n16 * A + i16])
                        rj = plsc.load_gather(ratm_v, [n16 * A + j16])
                        rs = ri + rj
                        plsc.store_scatter(res_v, [n16], onesf,
                                           mask=(rs * rs) >= s16)
                        return 0

                    lax.fori_loop(0, CE // L, grp, 0)
                    return range_min(nlo, nhi) > 0.0

                newdone = lax.cond(skippable, lambda _: done, process, 0)
                return (c + 1, newdone)

            lax.while_loop(chunk_cond, chunk_body,
                           (jnp.int32(0), jnp.bool_(False)))
            return 0

        lax.cond(slice_done, lambda _: 0, edge_phase, 0)

        pltpu.sync_copy(res_v, out_h.at[wid])

    return k(elm_flat, eng, edge_n, edge_i, edge_j, sod, eng_atm, radius)


def kernel(elm, eng, edge_n, edge_i, edge_j, sod, eng_atm, radius):
    B, A = elm.shape
    E = edge_n.shape[0]
    NS = radius.shape[0]
    rows = _repulsive_sc(elm.reshape(-1), eng, edge_n, edge_i, edge_j, sod,
                         eng_atm, radius, B=B, A=A, E=E, NS=NS)
    return jnp.max(rows, axis=0)[:B] > 0.5

# --- scband reference (transcript-rebuilt; emitter-appended) ---
"""Pipeline reference for scband-repulsive-89653147337010 (READ-ONLY COPY).

The authoritative reference and input builder live on the scoring server;
editing this copy changes nothing except your own understanding.
"""

import jax, jax.numpy as jnp
import numpy as np

B = 100      # number of structures in batch
A = 1000     # atoms per structure (n_nodes = B*A = 100000)
E = 6400000  # precomputed neighbor-list pairs (avg_degree=64)
NS = 100     # number of chemical species
RC = 5.0     # cutoff radius


def setup_inputs(seed: int = 0) -> dict:
    key = jax.random.key(seed)
    ks = jax.random.split(key, 8)
    elm = jax.random.randint(ks[0], (B, A), 0, NS, dtype=jnp.int32)
    eng = jax.random.normal(ks[1], (B,), dtype=jnp.float32) * 10.0
    # neighbor list: structure index n (sorted), atom indices i, j, squared distances sod
    edge_n = jnp.sort(jax.random.randint(ks[2], (E,), 0, B, dtype=jnp.int32))
    edge_i = jax.random.randint(ks[3], (E,), 0, A, dtype=jnp.int32)
    edge_j = jax.random.randint(ks[4], (E,), 0, A, dtype=jnp.int32)
    sod = jax.random.uniform(ks[5], (E,), dtype=jnp.float32) * (RC * RC)
    # buffers (learned-free parameters of the module)
    eng_atm = -jax.random.uniform(ks[6], (NS,), dtype=jnp.float32) * 5.0  # per-species single-atom energy
    radius = 0.5 + jax.random.uniform(ks[7], (NS,), dtype=jnp.float32) * 1.5  # per-species repulsive radius
    return {"elm": elm, "eng": eng, "edge_n": edge_n, "edge_i": edge_i,
            "edge_j": edge_j, "sod": sod, "eng_atm": eng_atm, "radius": radius}


def reference(elm, eng, edge_n, edge_i, edge_j, sod, eng_atm, radius):
    # eng_max = self.eng_atm[inp[p.elm]].sum(-1)
    eng_max = jnp.take(eng_atm, elm, axis=0).sum(-1)          # [B]
    # eng_big = inp[p.eng] >= eng_max
    eng_big = eng >= eng_max                                   # [B] bool
    # ei = elm[n, i]; ej = elm[n, j]
    ei = elm[edge_n, edge_i]                                   # [E]
    ej = elm[edge_n, edge_j]                                   # [E]
    # too_close_ = (radius[ei] + radius[ej]).pow(2) >= sod
    rsum = jnp.take(radius, ei, axis=0) + jnp.take(radius, ej, axis=0)
    too_close_ = (rsum * rsum) >= sod                          # [E] bool
    # scatter_add of ones at masked edge structure-indices, then > 0
    counts = jnp.zeros((B,), dtype=jnp.int32).at[edge_n].add(too_close_.astype(jnp.int32))
    too_close = counts > 0                                     # [B] bool
    return eng_big | too_close

if __name__ == "__main__":
    import jax
    _d = setup_inputs()
    print(jax.jit(kernel)(*tuple(_d.values())))

</pallas_src>

<mosaic_0001>
#map = affine_map<(d0, d1) -> (0)>
#map1 = affine_map<(d0, d1) -> (0, 0)>
module attributes {stable_mosaic.version = 14 : i64} {
  func.func @k(%arg0: i32, %arg1: i32, %arg2: memref<100000xi32, #tpu.memory_space<hbm>>, %arg3: memref<100xf32, #tpu.memory_space<hbm>>, %arg4: memref<6400000xi32, #tpu.memory_space<hbm>>, %arg5: memref<6400000xi32, #tpu.memory_space<hbm>>, %arg6: memref<6400000xi32, #tpu.memory_space<hbm>>, %arg7: memref<6400000xf32, #tpu.memory_space<hbm>>, %arg8: memref<100xf32, #tpu.memory_space<hbm>>, %arg9: memref<100xf32, #tpu.memory_space<hbm>>, %arg10: memref<32x112xf32, #tpu.memory_space<hbm>>, %arg11: memref<112xf32, #tpu.memory_space<vmem>>, %arg12: memref<112xf32, #tpu.memory_space<vmem>>, %arg13: memref<112xf32, #tpu.memory_space<vmem>>, %arg14: memref<112xf32, #tpu.memory_space<vmem>>, %arg15: memref<100016xf32, #tpu.memory_space<vmem>>, %arg16: memref<8008xi32, #tpu.memory_space<vmem>>, %arg17: memref<8008xi32, #tpu.memory_space<vmem>>, %arg18: memref<2000xi32, #tpu.memory_space<vmem>>, %arg19: memref<2000xi32, #tpu.memory_space<vmem>>, %arg20: memref<2000xi32, #tpu.memory_space<vmem>>, %arg21: memref<2000xf32, #tpu.memory_space<vmem>>, %arg22: memref<!tpu.dma_semaphore, #tpu.memory_space<semaphore_mem>>) attributes {dimension_semantics = [#tpu.dimension_semantics<core_parallel>, #tpu.dimension_semantics<subcore_parallel>], iteration_bounds = array<i64: 2, 16>, scalar_prefetch = 0 : i64, scratch_operands = 12 : i64, tpu.core_type = #tpu.core_type<sc_vector_subcore>, window_params = [{transform_indices = #map}, {transform_indices = #map}, {transform_indices = #map}, {transform_indices = #map}, {transform_indices = #map}, {transform_indices = #map}, {transform_indices = #map}, {transform_indices = #map}, {transform_indices = #map1}]} {
    %mul3A = arith.constant 2 : i32
    %mul3A_0 = arith.muli %arg1, %mul3A : i32
    %add3A = arith.addi %mul3A_0, %arg0 : i32
    %iota3A = tpu.iota {dimensions = array<i32: 0>} : vector<16xi32>
    %eq3A = arith.constant 0 : i32
    %eq3A_1 = vector.broadcast %eq3A : i32 to vector<16xi32>
    %eq3A_2 = arith.cmpi eq, %iota3A, %eq3A_1 : vector<16xi32>
    %broadcast_in_dim3A = arith.constant 0.000000e+00 : f32
    %broadcast_in_dim3A_3 = vector.broadcast %broadcast_in_dim3A : f32 to vector<16xf32>
    %broadcast_in_dim3A_4 = arith.constant 1.000000e+00 : f32
    %broadcast_in_dim3A_5 = vector.broadcast %broadcast_in_dim3A_4 : f32 to vector<16xf32>
    %mul3A_6 = arith.constant 4 : i32
    %mul3A_7 = arith.muli %add3A, %mul3A_6 : i32
    %min3A = arith.constant 100 : i32
    %min3A_8 = arith.minsi %mul3A_7, %min3A : i32
    %add3A_9 = arith.constant 4 : i32
    %add3A_10 = arith.addi %min3A_8, %add3A_9 : i32
    %min3A_11 = arith.constant 100 : i32
    %min3A_12 = arith.minsi %add3A_10, %min3A_11 : i32
    %min3A_13 = arith.constant 92 : i32
    %min3A_14 = arith.minsi %min3A_8, %min3A_13 : i32
    %max3A = arith.constant 0 : i32
    %max3A_15 = arith.maxsi %max3A, %min3A_14 : i32
    %mul3A_16 = arith.constant 200000 : i32
    %mul3A_17 = arith.muli %add3A, %mul3A_16 : i32
    %multiple_of3A = tpu.assume_multiple %mul3A_17, 8 : i32
    %dma_start3A = arith.constant 0 : i32
    %dma_start3A_18 = tpu.memref_slice %arg11[%dma_start3A] : memref<112xf32, #tpu.memory_space<vmem>> -> memref<100xf32, #tpu.memory_space<vmem>>
    %dma_start3A_19 = arith.constant 0 : i32
    %dma_start3A_20 = tpu.memref_slice %arg11[%dma_start3A_19] : memref<112xf32, #tpu.memory_space<vmem>> -> memref<100xf32, #tpu.memory_space<vmem>>
    tpu.enqueue_dma source(%arg9 : memref<100xf32, #tpu.memory_space<hbm>>) target(%dma_start3A_20 : memref<100xf32, #tpu.memory_space<vmem>>) target_semaphore(%arg22 : memref<!tpu.dma_semaphore, #tpu.memory_space<semaphore_mem>>)
    %dma_start3A_21 = arith.constant 0 : i32
    %dma_start3A_22 = tpu.memref_slice %arg12[%dma_start3A_21] : memref<112xf32, #tpu.memory_space<vmem>> -> memref<100xf32, #tpu.memory_space<vmem>>
    %dma_start3A_23 = arith.constant 0 : i32
    %dma_start3A_24 = tpu.memref_slice %arg12[%dma_start3A_23] : memref<112xf32, #tpu.memory_space<vmem>> -> memref<100xf32, #tpu.memory_space<vmem>>
    tpu.enqueue_dma source(%arg8 : memref<100xf32, #tpu.memory_space<hbm>>) target(%dma_start3A_24 : memref<100xf32, #tpu.memory_space<vmem>>) target_semaphore(%arg22 : memref<!tpu.dma_semaphore, #tpu.memory_space<semaphore_mem>>)
    %dma_start3A_25 = arith.constant 0 : i32
    %dma_start3A_26 = tpu.memref_slice %arg13[%dma_start3A_25] : memref<112xf32, #tpu.memory_space<vmem>> -> memref<100xf32, #tpu.memory_space<vmem>>
    %dma_start3A_27 = arith.constant 0 : i32
    %dma_start3A_28 = tpu.memref_slice %arg13[%dma_start3A_27] : memref<112xf32, #tpu.memory_space<vmem>> -> memref<100xf32, #tpu.memory_space<vmem>>
    tpu.enqueue_dma source(%arg3 : memref<100xf32, #tpu.memory_space<hbm>>) target(%dma_start3A_28 : memref<100xf32, #tpu.memory_space<vmem>>) target_semaphore(%arg22 : memref<!tpu.dma_semaphore, #tpu.memory_space<semaphore_mem>>)
    %dma_start3A_29 = arith.constant 0 : i32
    %dma_start3A_30 = tpu.memref_slice %arg18[%dma_start3A_29] : memref<2000xi32, #tpu.memory_space<vmem>> -> memref<16xi32, #tpu.memory_space<vmem>>
    %dma_start3A_31 = tpu.memref_slice %arg4[%multiple_of3A] : memref<6400000xi32, #tpu.memory_space<hbm>> -> memref<16xi32, #tpu.memory_space<hbm>>
    %dma_start3A_32 = arith.constant 0 : i32
    %dma_start3A_33 = tpu.memref_slice %arg18[%dma_start3A_32] : memref<2000xi32, #tpu.memory_space<vmem>> -> memref<16xi32, #tpu.memory_space<vmem>>
    %dma_start3A_34 = tpu.memref_slice %arg4[%multiple_of3A] : memref<6400000xi32, #tpu.memory_space<hbm>> -> memref<16xi32, #tpu.memory_space<hbm>>
    tpu.enqueue_dma source(%dma_start3A_34 : memref<16xi32, #tpu.memory_space<hbm>>) target(%dma_start3A_33 : memref<16xi32, #tpu.memory_space<vmem>>) target_semaphore(%arg22 : memref<!tpu.dma_semaphore, #tpu.memory_space<semaphore_mem>>)
    %add3A_35 = arith.constant 200000 : i32
    %add3A_36 = arith.addi %multiple_of3A, %add3A_35 : i32
    %sub3A = arith.constant 16 : i32
    %sub3A_37 = arith.subi %add3A_36, %sub3A : i32
    %dma_start3A_38 = arith.constant 16 : i32
    %dma_start3A_39 = tpu.memref_slice %arg18[%dma_start3A_38] : memref<2000xi32, #tpu.memory_space<vmem>> -> memref<16xi32, #tpu.memory_space<vmem>>
    %dma_start3A_40 = tpu.memref_slice %arg4[%sub3A_37] : memref<6400000xi32, #tpu.memory_space<hbm>> -> memref<16xi32, #tpu.memory_space<hbm>>
    %dma_start3A_41 = arith.constant 16 : i32
    %dma_start3A_42 = tpu.memref_slice %arg18[%dma_start3A_41] : memref<2000xi32, #tpu.memory_space<vmem>> -> memref<16xi32, #tpu.memory_space<vmem>>
    %dma_start3A_43 = tpu.memref_slice %arg4[%sub3A_37] : memref<6400000xi32, #tpu.memory_space<hbm>> -> memref<16xi32, #tpu.memory_space<hbm>>
    tpu.enqueue_dma source(%dma_start3A_43 : memref<16xi32, #tpu.memory_space<hbm>>) target(%dma_start3A_42 : memref<16xi32, #tpu.memory_space<vmem>>) target_semaphore(%arg22 : memref<!tpu.dma_semaphore, #tpu.memory_space<semaphore_mem>>)
    %mul3A_44 = arith.constant 1000 : i32
    %mul3A_45 = arith.muli %max3A_15, %mul3A_44 : i32
    %dma_start3A_46 = arith.constant 0 : i32
    %dma_start3A_47 = tpu.memref_slice %arg16[%dma_start3A_46] : memref<8008xi32, #tpu.memory_space<vmem>> -> memref<8000xi32, #tpu.memory_space<vmem>>
    %dma_start3A_48 = tpu.memref_slice %arg2[%mul3A_45] : memref<100000xi32, #tpu.memory_space<hbm>> -> memref<8000xi32, #tpu.memory_space<hbm>>
    %dma_start3A_49 = arith.constant 0 : i32
    %dma_start3A_50 = tpu.memref_slice %arg16[%dma_start3A_49] : memref<8008xi32, #tpu.memory_space<vmem>> -> memref<8000xi32, #tpu.memory_space<vmem>>
    %dma_start3A_51 = tpu.memref_slice %arg2[%mul3A_45] : memref<100000xi32, #tpu.memory_space<hbm>> -> memref<8000xi32, #tpu.memory_space<hbm>>
    tpu.enqueue_dma source(%dma_start3A_51 : memref<8000xi32, #tpu.memory_space<hbm>>) target(%dma_start3A_50 : memref<8000xi32, #tpu.memory_space<vmem>>) target_semaphore(%arg22 : memref<!tpu.dma_semaphore, #tpu.memory_space<semaphore_mem>>)
    %swap3A = arith.constant 0 : index
    %swap3A_52 = tpu.vector_load %arg14[%swap3A] {strides = array<i32>} : memref<112xf32, #tpu.memory_space<vmem>>, vector<16xf32>,
    tpu.vector_store %arg14[%swap3A], %broadcast_in_dim3A_3 {strides = array<i32>} : memref<112xf32, #tpu.memory_space<vmem>>, vector<16xf32>,
    %swap3A_53 = arith.constant 16 : index
    %swap3A_54 = tpu.vector_load %arg14[%swap3A_53] {strides = array<i32>} : memref<112xf32, #tpu.memory_space<vmem>>, vector<16xf32>,
    tpu.vector_store %arg14[%swap3A_53], %broadcast_in_dim3A_3 {strides = array<i32>} : memref<112xf32, #tpu.memory_space<vmem>>, vector<16xf32>,
    %swap3A_55 = arith.constant 32 : index
    %swap3A_56 = tpu.vector_load %arg14[%swap3A_55] {strides = array<i32>} : memref<112xf32, #tpu.memory_space<vmem>>, vector<16xf32>,
    tpu.vector_store %arg14[%swap3A_55], %broadcast_in_dim3A_3 {strides = array<i32>} : memref<112xf32, #tpu.memory_space<vmem>>, vector<16xf32>,
    %swap3A_57 = arith.constant 48 : index
    %swap3A_58 = tpu.vector_load %arg14[%swap3A_57] {strides = array<i32>} : memref<112xf32, #tpu.memory_space<vmem>>, vector<16xf32>,
    tpu.vector_store %arg14[%swap3A_57], %broadcast_in_dim3A_3 {strides = array<i32>} : memref<112xf32, #tpu.memory_space<vmem>>, vector<16xf32>,
    %swap3A_59 = arith.constant 64 : index
    %swap3A_60 = tpu.vector_load %arg14[%swap3A_59] {strides = array<i32>} : memref<112xf32, #tpu.memory_space<vmem>>, vector<16xf32>,
    tpu.vector_store %arg14[%swap3A_59], %broadcast_in_dim3A_3 {strides = array<i32>} : memref<112xf32, #tpu.memory_space<vmem>>, vector<16xf32>,
    %swap3A_61 = arith.constant 80 : index
    %swap3A_62 = tpu.vector_load %arg14[%swap3A_61] {strides = array<i32>} : memref<112xf32, #tpu.memory_space<vmem>>, vector<16xf32>,
    tpu.vector_store %arg14[%swap3A_61], %broadcast_in_dim3A_3 {strides = array<i32>} : memref<112xf32, #tpu.memory_space<vmem>>, vector<16xf32>,
    %swap3A_63 = arith.constant 96 : index
    %swap3A_64 = tpu.vector_load %arg14[%swap3A_63] {strides = array<i32>} : memref<112xf32, #tpu.memory_space<vmem>>, vector<16xf32>,
    tpu.vector_store %arg14[%swap3A_63], %broadcast_in_dim3A_3 {strides = array<i32>} : memref<112xf32, #tpu.memory_space<vmem>>, vector<16xf32>,
    %dma_wait3A = arith.constant 0 : i32
    %dma_wait3A_65 = tpu.memref_slice %arg11[%dma_wait3A] : memref<112xf32, #tpu.memory_space<vmem>> -> memref<100xf32, #tpu.memory_space<vmem>>
    %dma_wait3A_66 = arith.constant 0 : i32
    %dma_wait3A_67 = tpu.memref_slice %arg11[%dma_wait3A_66] : memref<112xf32, #tpu.memory_space<vmem>> -> memref<100xf32, #tpu.memory_space<vmem>>
    tpu.wait_dma2 semaphore(%arg22 : memref<!tpu.dma_semaphore, #tpu.memory_space<semaphore_mem>>) src(%arg9 : memref<100xf32, #tpu.memory_space<hbm>>) dst(%dma_wait3A_67 : memref<100xf32, #tpu.memory_space<vmem>>)
    %dma_wait3A_68 = arith.constant 0 : i32
    %dma_wait3A_69 = tpu.memref_slice %arg12[%dma_wait3A_68] : memref<112xf32, #tpu.memory_space<vmem>> -> memref<100xf32, #tpu.memory_space<vmem>>
    %dma_wait3A_70 = arith.constant 0 : i32
    %dma_wait3A_71 = tpu.memref_slice %arg12[%dma_wait3A_70] : memref<112xf32, #tpu.memory_space<vmem>> -> memref<100xf32, #tpu.memory_space<vmem>>
    tpu.wait_dma2 semaphore(%arg22 : memref<!tpu.dma_semaphore, #tpu.memory_space<semaphore_mem>>) src(%arg8 : memref<100xf32, #tpu.memory_space<hbm>>) dst(%dma_wait3A_71 : memref<100xf32, #tpu.memory_space<vmem>>)
    %dma_wait3A_72 = arith.constant 0 : i32
    %dma_wait3A_73 = tpu.memref_slice %arg13[%dma_wait3A_72] : memref<112xf32, #tpu.memory_space<vmem>> -> memref<100xf32, #tpu.memory_space<vmem>>
    %dma_wait3A_74 = arith.constant 0 : i32
    %dma_wait3A_75 = tpu.memref_slice %arg13[%dma_wait3A_74] : memref<112xf32, #tpu.memory_space<vmem>> -> memref<100xf32, #tpu.memory_space<vmem>>
    tpu.wait_dma2 semaphore(%arg22 : memref<!tpu.dma_semaphore, #tpu.memory_space<semaphore_mem>>) src(%arg3 : memref<100xf32, #tpu.memory_space<hbm>>) dst(%dma_wait3A_75 : memref<100xf32, #tpu.memory_space<vmem>>)
    %dma_wait3A_76 = arith.constant 0 : i32
    %dma_wait3A_77 = tpu.memref_slice %arg18[%dma_wait3A_76] : memref<2000xi32, #tpu.memory_space<vmem>> -> memref<16xi32, #tpu.memory_space<vmem>>
    %dma_wait3A_78 = tpu.memref_slice %arg4[%multiple_of3A] : memref<6400000xi32, #tpu.memory_space<hbm>> -> memref<16xi32, #tpu.memory_space<hbm>>
    %dma_wait3A_79 = arith.constant 0 : i32
    %dma_wait3A_80 = tpu.memref_slice %arg18[%dma_wait3A_79] : memref<2000xi32, #tpu.memory_space<vmem>> -> memref<16xi32, #tpu.memory_space<vmem>>
    %dma_wait3A_81 = tpu.memref_slice %arg4[%multiple_of3A] : memref<6400000xi32, #tpu.memory_space<hbm>> -> memref<16xi32, #tpu.memory_space<hbm>>
    tpu.wait_dma2 semaphore(%arg22 : memref<!tpu.dma_semaphore, #tpu.memory_space<semaphore_mem>>) src(%dma_wait3A_81 : memref<16xi32, #tpu.memory_space<hbm>>) dst(%dma_wait3A_80 : memref<16xi32, #tpu.memory_space<vmem>>)
    %dma_wait3A_82 = arith.constant 16 : i32
    %dma_wait3A_83 = tpu.memref_slice %arg18[%dma_wait3A_82] : memref<2000xi32, #tpu.memory_space<vmem>> -> memref<16xi32, #tpu.memory_space<vmem>>
    %dma_wait3A_84 = tpu.memref_slice %arg4[%sub3A_37] : memref<6400000xi32, #tpu.memory_space<hbm>> -> memref<16xi32, #tpu.memory_space<hbm>>
    %dma_wait3A_85 = arith.constant 16 : i32
    %dma_wait3A_86 = tpu.memref_slice %arg18[%dma_wait3A_85] : memref<2000xi32, #tpu.memory_space<vmem>> -> memref<16xi32, #tpu.memory_space<vmem>>
    %dma_wait3A_87 = tpu.memref_slice %arg4[%sub3A_37] : memref<6400000xi32, #tpu.memory_space<hbm>> -> memref<16xi32, #tpu.memory_space<hbm>>
    tpu.wait_dma2 semaphore(%arg22 : memref<!tpu.dma_semaphore, #tpu.memory_space<semaphore_mem>>) src(%dma_wait3A_87 : memref<16xi32, #tpu.memory_space<hbm>>) dst(%dma_wait3A_86 : memref<16xi32, #tpu.memory_space<vmem>>)
    %dma_wait3A_88 = arith.constant 0 : i32
    %dma_wait3A_89 = tpu.memref_slice %arg16[%dma_wait3A_88] : memref<8008xi32, #tpu.memory_space<vmem>> -> memref<8000xi32, #tpu.memory_space<vmem>>
    %dma_wait3A_90 = tpu.memref_slice %arg2[%mul3A_45] : memref<100000xi32, #tpu.memory_space<hbm>> -> memref<8000xi32, #tpu.memory_space<hbm>>
    %dma_wait3A_91 = arith.constant 0 : i32
    %dma_wait3A_92 = tpu.memref_slice %arg16[%dma_wait3A_91] : memref<8008xi32, #tpu.memory_space<vmem>> -> memref<8000xi32, #tpu.memory_space<vmem>>
    %dma_wait3A_93 = tpu.memref_slice %arg2[%mul3A_45] : memref<100000xi32, #tpu.memory_space<hbm>> -> memref<8000xi32, #tpu.memory_space<hbm>>
    tpu.wait_dma2 semaphore(%arg22 : memref<!tpu.dma_semaphore, #tpu.memory_space<semaphore_mem>>) src(%dma_wait3A_93 : memref<8000xi32, #tpu.memory_space<hbm>>) dst(%dma_wait3A_92 : memref<8000xi32, #tpu.memory_space<vmem>>)
    %get3A = arith.constant 0 : index
    %get3A_94 = tpu.vector_load %arg18[%get3A] {strides = array<i32>} : memref<2000xi32, #tpu.memory_space<vmem>>, vector<16xi32>,
    %reduce_min3A = arith.constant true
    %reduce_min3A_95 = vector.broadcast %reduce_min3A : i1 to vector<16xi1>
    %reduce_min3A_96 = arith.constant -2147483648 : i32
    %reduce_min3A_97 = vector.broadcast %reduce_min3A_96 : i32 to vector<16xi32>
    %reduce_min3A_98 = arith.xori %get3A_94, %reduce_min3A_97 : vector<16xi32>
    %reduce_min3A_99 = tpu.scan <min>, %reduce_min3A_98 masked %reduce_min3A_95 : vector<16xi32>, vector<16xi1> -> vector<16xi32>
    %reduce_min3A_100 = arith.xori %reduce_min3A_99, %reduce_min3A_97 : vector<16xi32>
    %reduce_min3A_101 = vector.extract %reduce_min3A_100[15] : i32 from vector<16xi32>
    %get3A_102 = arith.constant 16 : index
    %get3A_103 = tpu.vector_load %arg18[%get3A_102] {strides = array<i32>} : memref<2000xi32, #tpu.memory_space<vmem>>, vector<16xi32>,
    %reduce_max3A = arith.constant true
    %reduce_max3A_104 = vector.broadcast %reduce_max3A : i1 to vector<16xi1>
    %reduce_max3A_105 = arith.constant -2147483648 : i32
    %reduce_max3A_106 = vector.broadcast %reduce_max3A_105 : i32 to vector<16xi32>
    %reduce_max3A_107 = arith.xori %get3A_103, %reduce_max3A_106 : vector<16xi32>
    %reduce_max3A_108 = tpu.scan <max>, %reduce_max3A_107 masked %reduce_max3A_104 : vector<16xi32>, vector<16xi1> -> vector<16xi32>
    %reduce_max3A_109 = arith.xori %reduce_max3A_108, %reduce_max3A_106 : vector<16xi32>
    %reduce_max3A_110 = vector.extract %reduce_max3A_109[15] : i32 from vector<16xi32>
    %min3A_111 = arith.constant 92 : i32
    %min3A_112 = arith.minsi %reduce_min3A_101, %min3A_111 : i32
    %max3A_113 = arith.constant 0 : i32
    %max3A_114 = arith.maxsi %max3A_113, %min3A_112 : i32
    %mul3A_115 = arith.constant 1000 : i32
    %mul3A_116 = arith.muli %max3A_114, %mul3A_115 : i32
    %dma_start3A_117 = arith.constant 0 : i32
    %dma_start3A_118 = tpu.memref_slice %arg17[%dma_start3A_117] : memref<8008xi32, #tpu.memory_space<vmem>> -> memref<8000xi32, #tpu.memory_space<vmem>>
    %dma_start3A_119 = tpu.memref_slice %arg2[%mul3A_116] : memref<100000xi32, #tpu.memory_space<hbm>> -> memref<8000xi32, #tpu.memory_space<hbm>>
    %dma_start3A_120 = arith.constant 0 : i32
    %dma_start3A_121 = tpu.memref_slice %arg17[%dma_start3A_120] : memref<8008xi32, #tpu.memory_space<vmem>> -> memref<8000xi32, #tpu.memory_space<vmem>>
    %dma_start3A_122 = tpu.memref_slice %arg2[%mul3A_116] : memref<100000xi32, #tpu.memory_space<hbm>> -> memref<8000xi32, #tpu.memory_space<hbm>>
    tpu.enqueue_dma source(%dma_start3A_122 : memref<8000xi32, #tpu.memory_space<hbm>>) target(%dma_start3A_121 : memref<8000xi32, #tpu.memory_space<vmem>>) target_semaphore(%arg22 : memref<!tpu.dma_semaphore, #tpu.memory_space<semaphore_mem>>)
    %while3A = arith.constant 0 : i32
    %while3A_123 = arith.subi %min3A_12, %min3A_8 : i32
    %while3A_124 = arith.addi %min3A_8, %while3A_123 : i32
    %while3A_125 = arith.constant 1 : i32
    %while3A_126 = arith.divsi %while3A_123, %while3A_125 : i32
    %while3A_127 = arith.muli %while3A_126, %while3A_125 : i32
    %while3A_128 = arith.addi %min3A_8, %while3A_127 : i32
    %while3A_129 = arith.constant 1 : i32
    %while3A_130 = scf.for %while3A_177 = %min3A_8 to %while3A_128 step %while3A_129 iter_args(%while3A_178 = %while3A) -> (i32)  : i32 {
      %sub3A_179 = arith.subi %while3A_177, %max3A_15 : i32
      %mul3A_180 = arith.constant 1000 : i32
      %mul3A_181 = arith.muli %sub3A_179, %mul3A_180 : i32
      %scan3A = arith.constant 0 : i32
      %scan3A_182 = arith.constant 63 : i32
      %scan3A_183 = arith.addi %scan3A, %scan3A_182 : i32
      %scan3A_184 = arith.constant 7 : i32
      %scan3A_185 = scf.for %scan3A_194 = %scan3A to %scan3A_183 step %scan3A_184 iter_args(%scan3A_195 = %broadcast_in_dim3A_3) -> (vector<16xf32>)  : i32 {
        %mul3A_196 = arith.constant 16 : i32
        %mul3A_197 = arith.muli %scan3A_194, %mul3A_196 : i32
        %add3A_198 = arith.addi %mul3A_181, %mul3A_197 : i32
        %get3A_199 = arith.index_cast %add3A_198 : i32 to index
        %get3A_200 = tpu.vector_load %arg16[%get3A_199] {strides = array<i32>} : memref<8008xi32, #tpu.memory_space<vmem>>, vector<16xi32>,
        %mul3A_201 = arith.constant 16 : i32
        %mul3A_202 = arith.muli %scan3A_194, %mul3A_201 : i32
        %add3A_203 = vector.broadcast %mul3A_202 : i32 to vector<16xi32>
        %add3A_204 = arith.addi %add3A_203, %iota3A : vector<16xi32>
        %lt3A = arith.constant 1000 : i32
        %lt3A_205 = vector.broadcast %lt3A : i32 to vector<16xi32>
        %lt3A_206 = arith.cmpi slt, %add3A_204, %lt3A_205 : vector<16xi32>
        %gather3A_207 = tpu.vector_load_idx %arg12[%get3A_200] masked %lt3A_206 : memref<112xf32, #tpu.memory_space<vmem>>[vector<16xi32>], vector<16xf32>, vector<16xi1>
        %select_n3A_208 = arith.select %lt3A_206, %gather3A_207, %broadcast_in_dim3A_3 : vector<16xi1>, vector<16xf32>
        %add3A_209 = arith.addf %scan3A_195, %select_n3A_208 : vector<16xf32>
        %scan3A_210 = arith.constant 1 : i32
        %scan3A_211 = arith.addi %scan3A_194, %scan3A_210 : i32
        %mul3A_212 = arith.constant 16 : i32
        %mul3A_213 = arith.muli %scan3A_211, %mul3A_212 : i32
        %add3A_214 = arith.addi %mul3A_181, %mul3A_213 : i32
        %get3A_215 = arith.index_cast %add3A_214 : i32 to index
        %get3A_216 = tpu.vector_load %arg16[%get3A_215] {strides = array<i32>} : memref<8008xi32, #tpu.memory_space<vmem>>, vector<16xi32>,
        %mul3A_217 = arith.constant 16 : i32
        %mul3A_218 = arith.muli %scan3A_211, %mul3A_217 : i32
        %add3A_219 = vector.broadcast %mul3A_218 : i32 to vector<16xi32>
        %add3A_220 = arith.addi %add3A_219, %iota3A : vector<16xi32>
        %lt3A_221 = arith.constant 1000 : i32
        %lt3A_222 = vector.broadcast %lt3A_221 : i32 to vector<16xi32>
        %lt3A_223 = arith.cmpi slt, %add3A_220, %lt3A_222 : vector<16xi32>
        %gather3A_224 = tpu.vector_load_idx %arg12[%get3A_216] masked %lt3A_223 : memref<112xf32, #tpu.memory_space<vmem>>[vector<16xi32>], vector<16xf32>, vector<16xi1>
        %select_n3A_225 = arith.select %lt3A_223, %gather3A_224, %broadcast_in_dim3A_3 : vector<16xi1>, vector<16xf32>
        %add3A_226 = arith.addf %add3A_209, %select_n3A_225 : vector<16xf32>
        %scan3A_227 = arith.constant 2 : i32
        %scan3A_228 = arith.addi %scan3A_194, %scan3A_227 : i32
        %mul3A_229 = arith.constant 16 : i32
        %mul3A_230 = arith.muli %scan3A_228, %mul3A_229 : i32
        %add3A_231 = arith.addi %mul3A_181, %mul3A_230 : i32
        %get3A_232 = arith.index_cast %add3A_231 : i32 to index
        %get3A_233 = tpu.vector_load %arg16[%get3A_232] {strides = array<i32>} : memref<8008xi32, #tpu.memory_space<vmem>>, vector<16xi32>,
        %mul3A_234 = arith.constant 16 : i32
        %mul3A_235 = arith.muli %scan3A_228, %mul3A_234 : i32
        %add3A_236 = vector.broadcast %mul3A_235 : i32 to vector<16xi32>
        %add3A_237 = arith.addi %add3A_236, %iota3A : vector<16xi32>
        %lt3A_238 = arith.constant 1000 : i32
        %lt3A_239 = vector.broadcast %lt3A_238 : i32 to vector<16xi32>
        %lt3A_240 = arith.cmpi slt, %add3A_237, %lt3A_239 : vector<16xi32>
        %gather3A_241 = tpu.vector_load_idx %arg12[%get3A_233] masked %lt3A_240 : memref<112xf32, #tpu.memory_space<vmem>>[vector<16xi32>], vector<16xf32>, vector<16xi1>
        %select_n3A_242 = arith.select %lt3A_240, %gather3A_241, %broadcast_in_dim3A_3 : vector<16xi1>, vector<16xf32>
        %add3A_243 = arith.addf %add3A_226, %select_n3A_242 : vector<16xf32>
        %scan3A_244 = arith.constant 3 : i32
        %scan3A_245 = arith.addi %scan3A_194, %scan3A_244 : i32
        %mul3A_246 = arith.constant 16 : i32
        %mul3A_247 = arith.muli %scan3A_245, %mul3A_246 : i32
        %add3A_248 = arith.addi %mul3A_181, %mul3A_247 : i32
        %get3A_249 = arith.index_cast %add3A_248 : i32 to index
        %get3A_250 = tpu.vector_load %arg16[%get3A_249] {strides = array<i32>} : memref<8008xi32, #tpu.memory_space<vmem>>, vector<16xi32>,
        %mul3A_251 = arith.constant 16 : i32
        %mul3A_252 = arith.muli %scan3A_245, %mul3A_251 : i32
        %add3A_253 = vector.broadcast %mul3A_252 : i32 to vector<16xi32>
        %add3A_254 = arith.addi %add3A_253, %iota3A : vector<16xi32>
        %lt3A_255 = arith.constant 1000 : i32
        %lt3A_256 = vector.broadcast %lt3A_255 : i32 to vector<16xi32>
        %lt3A_257 = arith.cmpi slt, %add3A_254, %lt3A_256 : vector<16xi32>
        %gather3A_258 = tpu.vector_load_idx %arg12[%get3A_250] masked %lt3A_257 : memref<112xf32, #tpu.memory_space<vmem>>[vector<16xi32>], vector<16xf32>, vector<16xi1>
        %select_n3A_259 = arith.select %lt3A_257, %gather3A_258, %broadcast_in_dim3A_3 : vector<16xi1>, vector<16xf32>
        %add3A_260 = arith.addf %add3A_243, %select_n3A_259 : vector<16xf32>
        %scan3A_261 = arith.constant 4 : i32
        %scan3A_262 = arith.addi %scan3A_194, %scan3A_261 : i32
        %mul3A_263 = arith.constant 16 : i32
        %mul3A_264 = arith.muli %scan3A_262, %mul3A_263 : i32
        %add3A_265 = arith.addi %mul3A_181, %mul3A_264 : i32
        %get3A_266 = arith.index_cast %add3A_265 : i32 to index
        %get3A_267 = tpu.vector_load %arg16[%get3A_266] {strides = array<i32>} : memref<8008xi32, #tpu.memory_space<vmem>>, vector<16xi32>,
        %mul3A_268 = arith.constant 16 : i32
        %mul3A_269 = arith.muli %scan3A_262, %mul3A_268 : i32
        %add3A_270 = vector.broadcast %mul3A_269 : i32 to vector<16xi32>
        %add3A_271 = arith.addi %add3A_270, %iota3A : vector<16xi32>
        %lt3A_272 = arith.constant 1000 : i32
        %lt3A_273 = vector.broadcast %lt3A_272 : i32 to vector<16xi32>
        %lt3A_274 = arith.cmpi slt, %add3A_271, %lt3A_273 : vector<16xi32>
        %gather3A_275 = tpu.vector_load_idx %arg12[%get3A_267] masked %lt3A_274 : memref<112xf32, #tpu.memory_space<vmem>>[vector<16xi32>], vector<16xf32>, vector<16xi1>
        %select_n3A_276 = arith.select %lt3A_274, %gather3A_275, %broadcast_in_dim3A_3 : vector<16xi1>, vector<16xf32>
        %add3A_277 = arith.addf %add3A_260, %select_n3A_276 : vector<16xf32>
        %scan3A_278 = arith.constant 5 : i32
        %scan3A_279 = arith.addi %scan3A_194, %scan3A_278 : i32
        %mul3A_280 = arith.constant 16 : i32
        %mul3A_281 = arith.muli %scan3A_279, %mul3A_280 : i32
        %add3A_282 = arith.addi %mul3A_181, %mul3A_281 : i32
        %get3A_283 = arith.index_cast %add3A_282 : i32 to index
        %get3A_284 = tpu.vector_load %arg16[%get3A_283] {strides = array<i32>} : memref<8008xi32, #tpu.memory_space<vmem>>, vector<16xi32>,
        %mul3A_285 = arith.constant 16 : i32
        %mul3A_286 = arith.muli %scan3A_279, %mul3A_285 : i32
        %add3A_287 = vector.broadcast %mul3A_286 : i32 to vector<16xi32>
        %add3A_288 = arith.addi %add3A_287, %iota3A : vector<16xi32>
        %lt3A_289 = arith.constant 1000 : i32
        %lt3A_290 = vector.broadcast %lt3A_289 : i32 to vector<16xi32>
        %lt3A_291 = arith.cmpi slt, %add3A_288, %lt3A_290 : vector<16xi32>
        %gather3A_292 = tpu.vector_load_idx %arg12[%get3A_284] masked %lt3A_291 : memref<112xf32, #tpu.memory_space<vmem>>[vector<16xi32>], vector<16xf32>, vector<16xi1>
        %select_n3A_293 = arith.select %lt3A_291, %gather3A_292, %broadcast_in_dim3A_3 : vector<16xi1>, vector<16xf32>
        %add3A_294 = arith.addf %add3A_277, %select_n3A_293 : vector<16xf32>
        %scan3A_295 = arith.constant 6 : i32
        %scan3A_296 = arith.addi %scan3A_194, %scan3A_295 : i32
        %mul3A_297 = arith.constant 16 : i32
        %mul3A_298 = arith.muli %scan3A_296, %mul3A_297 : i32
        %add3A_299 = arith.addi %mul3A_181, %mul3A_298 : i32
        %get3A_300 = arith.index_cast %add3A_299 : i32 to index
        %get3A_301 = tpu.vector_load %arg16[%get3A_300] {strides = array<i32>} : memref<8008xi32, #tpu.memory_space<vmem>>, vector<16xi32>,
        %mul3A_302 = arith.constant 16 : i32
        %mul3A_303 = arith.muli %scan3A_296, %mul3A_302 : i32
        %add3A_304 = vector.broadcast %mul3A_303 : i32 to vector<16xi32>
        %add3A_305 = arith.addi %add3A_304, %iota3A : vector<16xi32>
        %lt3A_306 = arith.constant 1000 : i32
        %lt3A_307 = vector.broadcast %lt3A_306 : i32 to vector<16xi32>
        %lt3A_308 = arith.cmpi slt, %add3A_305, %lt3A_307 : vector<16xi32>
        %gather3A_309 = tpu.vector_load_idx %arg12[%get3A_301] masked %lt3A_308 : memref<112xf32, #tpu.memory_space<vmem>>[vector<16xi32>], vector<16xf32>, vector<16xi1>
        %select_n3A_310 = arith.select %lt3A_308, %gather3A_309, %broadcast_in_dim3A_3 : vector<16xi1>, vector<16xf32>
        %add3A_311 = arith.addf %add3A_294, %select_n3A_310 : vector<16xf32>
        scf.yield %add3A_311 : vector<16xf32>
      }
      %scan3A_186 = arith.constant 63 : i32
      %reduce_sum3A = arith.constant true
      %reduce_sum3A_187 = vector.broadcast %reduce_sum3A : i1 to vector<16xi1>
      %reduce_sum3A_188 = tpu.scan <sum>, %scan3A_185 masked %reduce_sum3A_187 : vector<16xf32>, vector<16xi1> -> vector<16xf32>
      %reduce_sum3A_189 = vector.extract %reduce_sum3A_188[15] : f32 from vector<16xf32>
      %broadcast_in_dim3A_190 = vector.broadcast %reduce_sum3A_189 : f32 to vector<16xf32>
      %broadcast_in_dim3A_191 = vector.broadcast %while3A_177 : i32 to vector<16xi32>
      %gather3A = tpu.vector_load_idx %arg13[%broadcast_in_dim3A_191] : memref<112xf32, #tpu.memory_space<vmem>>[vector<16xi32>], vector<16xf32>,
      %ge3A = arith.cmpf oge, %gather3A, %broadcast_in_dim3A_190 : vector<16xf32>
      %select_n3A_192 = arith.select %ge3A, %broadcast_in_dim3A_5, %broadcast_in_dim3A_3 : vector<16xi1>, vector<16xf32>
      tpu.vector_store_idx %arg14[%broadcast_in_dim3A_191], %select_n3A_192 masked %eq3A_2 : memref<112xf32, #tpu.memory_space<vmem>>[vector<16xi32>], vector<16xf32>, vector<16xi1>
      %while3A_193 = arith.constant 0 : i32
      scf.yield %while3A_193 : i32
    }
    %while3A_131 = arith.constant 1 : i32
    %while3A_132 = scf.for %while3A_177 = %while3A_128 to %while3A_124 step %while3A_131 iter_args(%while3A_178 = %while3A_130) -> (i32)  : i32 {
      %sub3A_179 = arith.subi %while3A_177, %max3A_15 : i32
      %mul3A_180 = arith.constant 1000 : i32
      %mul3A_181 = arith.muli %sub3A_179, %mul3A_180 : i32
      %scan3A = arith.constant 0 : i32
      %scan3A_182 = arith.constant 63 : i32
      %scan3A_183 = arith.addi %scan3A, %scan3A_182 : i32
      %scan3A_184 = arith.constant 7 : i32
      %scan3A_185 = scf.for %scan3A_194 = %scan3A to %scan3A_183 step %scan3A_184 iter_args(%scan3A_195 = %broadcast_in_dim3A_3) -> (vector<16xf32>)  : i32 {
        %mul3A_196 = arith.constant 16 : i32
        %mul3A_197 = arith.muli %scan3A_194, %mul3A_196 : i32
        %add3A_198 = arith.addi %mul3A_181, %mul3A_197 : i32
        %get3A_199 = arith.index_cast %add3A_198 : i32 to index
        %get3A_200 = tpu.vector_load %arg16[%get3A_199] {strides = array<i32>} : memref<8008xi32, #tpu.memory_space<vmem>>, vector<16xi32>,
        %mul3A_201 = arith.constant 16 : i32
        %mul3A_202 = arith.muli %scan3A_194, %mul3A_201 : i32
        %add3A_203 = vector.broadcast %mul3A_202 : i32 to vector<16xi32>
        %add3A_204 = arith.addi %add3A_203, %iota3A : vector<16xi32>
        %lt3A = arith.constant 1000 : i32
        %lt3A_205 = vector.broadcast %lt3A : i32 to vector<16xi32>
        %lt3A_206 = arith.cmpi slt, %add3A_204, %lt3A_205 : vector<16xi32>
        %gather3A_207 = tpu.vector_load_idx %arg12[%get3A_200] masked %lt3A_206 : memref<112xf32, #tpu.memory_space<vmem>>[vector<16xi32>], vector<16xf32>, vector<16xi1>
        %select_n3A_208 = arith.select %lt3A_206, %gather3A_207, %broadcast_in_dim3A_3 : vector<16xi1>, vector<16xf32>
        %add3A_209 = arith.addf %scan3A_195, %select_n3A_208 : vector<16xf32>
        %scan3A_210 = arith.constant 1 : i32
        %scan3A_211 = arith.addi %scan3A_194, %scan3A_210 : i32
        %mul3A_212 = arith.constant 16 : i32
        %mul3A_213 = arith.muli %scan3A_211, %mul3A_212 : i32
        %add3A_214 = arith.addi %mul3A_181, %mul3A_213 : i32
        %get3A_215 = arith.index_cast %add3A_214 : i32 to index
        %get3A_216 = tpu.vector_load %arg16[%get3A_215] {strides = array<i32>} : memref<8008xi32, #tpu.memory_space<vmem>>, vector<16xi32>,
        %mul3A_217 = arith.constant 16 : i32
        %mul3A_218 = arith.muli %scan3A_211, %mul3A_217 : i32
        %add3A_219 = vector.broadcast %mul3A_218 : i32 to vector<16xi32>
        %add3A_220 = arith.addi %add3A_219, %iota3A : vector<16xi32>
        %lt3A_221 = arith.constant 1000 : i32
        %lt3A_222 = vector.broadcast %lt3A_221 : i32 to vector<16xi32>
        %lt3A_223 = arith.cmpi slt, %add3A_220, %lt3A_222 : vector<16xi32>
        %gather3A_224 = tpu.vector_load_idx %arg12[%get3A_216] masked %lt3A_223 : memref<112xf32, #tpu.memory_space<vmem>>[vector<16xi32>], vector<16xf32>, vector<16xi1>
        %select_n3A_225 = arith.select %lt3A_223, %gather3A_224, %broadcast_in_dim3A_3 : vector<16xi1>, vector<16xf32>
        %add3A_226 = arith.addf %add3A_209, %select_n3A_225 : vector<16xf32>
        %scan3A_227 = arith.constant 2 : i32
        %scan3A_228 = arith.addi %scan3A_194, %scan3A_227 : i32
        %mul3A_229 = arith.constant 16 : i32
        %mul3A_230 = arith.muli %scan3A_228, %mul3A_229 : i32
        %add3A_231 = arith.addi %mul3A_181, %mul3A_230 : i32
        %get3A_232 = arith.index_cast %add3A_231 : i32 to index
        %get3A_233 = tpu.vector_load %arg16[%get3A_232] {strides = array<i32>} : memref<8008xi32, #tpu.memory_space<vmem>>, vector<16xi32>,
        %mul3A_234 = arith.constant 16 : i32
        %mul3A_235 = arith.muli %scan3A_228, %mul3A_234 : i32
        %add3A_236 = vector.broadcast %mul3A_235 : i32 to vector<16xi32>
        %add3A_237 = arith.addi %add3A_236, %iota3A : vector<16xi32>
        %lt3A_238 = arith.constant 1000 : i32
        %lt3A_239 = vector.broadcast %lt3A_238 : i32 to vector<16xi32>
        %lt3A_240 = arith.cmpi slt, %add3A_237, %lt3A_239 : vector<16xi32>
        %gather3A_241 = tpu.vector_load_idx %arg12[%get3A_233] masked %lt3A_240 : memref<112xf32, #tpu.memory_space<vmem>>[vector<16xi32>], vector<16xf32>, vector<16xi1>
        %select_n3A_242 = arith.select %lt3A_240, %gather3A_241, %broadcast_in_dim3A_3 : vector<16xi1>, vector<16xf32>
        %add3A_243 = arith.addf %add3A_226, %select_n3A_242 : vector<16xf32>
        %scan3A_244 = arith.constant 3 : i32
        %scan3A_245 = arith.addi %scan3A_194, %scan3A_244 : i32
        %mul3A_246 = arith.constant 16 : i32
        %mul3A_247 = arith.muli %scan3A_245, %mul3A_246 : i32
        %add3A_248 = arith.addi %mul3A_181, %mul3A_247 : i32
        %get3A_249 = arith.index_cast %add3A_248 : i32 to index
        %get3A_250 = tpu.vector_load %arg16[%get3A_249] {strides = array<i32>} : memref<8008xi32, #tpu.memory_space<vmem>>, vector<16xi32>,
        %mul3A_251 = arith.constant 16 : i32
        %mul3A_252 = arith.muli %scan3A_245, %mul3A_251 : i32
        %add3A_253 = vector.broadcast %mul3A_252 : i32 to vector<16xi32>
        %add3A_254 = arith.addi %add3A_253, %iota3A : vector<16xi32>
        %lt3A_255 = arith.constant 1000 : i32
        %lt3A_256 = vector.broadcast %lt3A_255 : i32 to vector<16xi32>
        %lt3A_257 = arith.cmpi slt, %add3A_254, %lt3A_256 : vector<16xi32>
        %gather3A_258 = tpu.vector_load_idx %arg12[%get3A_250] masked %lt3A_257 : memref<112xf32, #tpu.memory_space<vmem>>[vector<16xi32>], vector<16xf32>, vector<16xi1>
        %select_n3A_259 = arith.select %lt3A_257, %gather3A_258, %broadcast_in_dim3A_3 : vector<16xi1>, vector<16xf32>
        %add3A_260 = arith.addf %add3A_243, %select_n3A_259 : vector<16xf32>
        %scan3A_261 = arith.constant 4 : i32
        %scan3A_262 = arith.addi %scan3A_194, %scan3A_261 : i32
        %mul3A_263 = arith.constant 16 : i32
        %mul3A_264 = arith.muli %scan3A_262, %mul3A_263 : i32
        %add3A_265 = arith.addi %mul3A_181, %mul3A_264 : i32
        %get3A_266 = arith.index_cast %add3A_265 : i32 to index
        %get3A_267 = tpu.vector_load %arg16[%get3A_266] {strides = array<i32>} : memref<8008xi32, #tpu.memory_space<vmem>>, vector<16xi32>,
        %mul3A_268 = arith.constant 16 : i32
        %mul3A_269 = arith.muli %scan3A_262, %mul3A_268 : i32
        %add3A_270 = vector.broadcast %mul3A_269 : i32 to vector<16xi32>
        %add3A_271 = arith.addi %add3A_270, %iota3A : vector<16xi32>
        %lt3A_272 = arith.constant 1000 : i32
        %lt3A_273 = vector.broadcast %lt3A_272 : i32 to vector<16xi32>
        %lt3A_274 = arith.cmpi slt, %add3A_271, %lt3A_273 : vector<16xi32>
        %gather3A_275 = tpu.vector_load_idx %arg12[%get3A_267] masked %lt3A_274 : memref<112xf32, #tpu.memory_space<vmem>>[vector<16xi32>], vector<16xf32>, vector<16xi1>
        %select_n3A_276 = arith.select %lt3A_274, %gather3A_275, %broadcast_in_dim3A_3 : vector<16xi1>, vector<16xf32>
        %add3A_277 = arith.addf %add3A_260, %select_n3A_276 : vector<16xf32>
        %scan3A_278 = arith.constant 5 : i32
        %scan3A_279 = arith.addi %scan3A_194, %scan3A_278 : i32
        %mul3A_280 = arith.constant 16 : i32
        %mul3A_281 = arith.muli %scan3A_279, %mul3A_280 : i32
        %add3A_282 = arith.addi %mul3A_181, %mul3A_281 : i32
        %get3A_283 = arith.index_cast %add3A_282 : i32 to index
        %get3A_284 = tpu.vector_load %arg16[%get3A_283] {strides = array<i32>} : memref<8008xi32, #tpu.memory_space<vmem>>, vector<16xi32>,
        %mul3A_285 = arith.constant 16 : i32
        %mul3A_286 = arith.muli %scan3A_279, %mul3A_285 : i32
        %add3A_287 = vector.broadcast %mul3A_286 : i32 to vector<16xi32>
        %add3A_288 = arith.addi %add3A_287, %iota3A : vector<16xi32>
        %lt3A_289 = arith.constant 1000 : i32
        %lt3A_290 = vector.broadcast %lt3A_289 : i32 to vector<16xi32>
        %lt3A_291 = arith.cmpi slt, %add3A_288, %lt3A_290 : vector<16xi32>
        %gather3A_292 = tpu.vector_load_idx %arg12[%get3A_284] masked %lt3A_291 : memref<112xf32, #tpu.memory_space<vmem>>[vector<16xi32>], vector<16xf32>, vector<16xi1>
        %select_n3A_293 = arith.select %lt3A_291, %gather3A_292, %broadcast_in_dim3A_3 : vector<16xi1>, vector<16xf32>
        %add3A_294 = arith.addf %add3A_277, %select_n3A_293 : vector<16xf32>
        %scan3A_295 = arith.constant 6 : i32
        %scan3A_296 = arith.addi %scan3A_194, %scan3A_295 : i32
        %mul3A_297 = arith.constant 16 : i32
        %mul3A_298 = arith.muli %scan3A_296, %mul3A_297 : i32
        %add3A_299 = arith.addi %mul3A_181, %mul3A_298 : i32
        %get3A_300 = arith.index_cast %add3A_299 : i32 to index
        %get3A_301 = tpu.vector_load %arg16[%get3A_300] {strides = array<i32>} : memref<8008xi32, #tpu.memory_space<vmem>>, vector<16xi32>,
        %mul3A_302 = arith.constant 16 : i32
        %mul3A_303 = arith.muli %scan3A_296, %mul3A_302 : i32
        %add3A_304 = vector.broadcast %mul3A_303 : i32 to vector<16xi32>
        %add3A_305 = arith.addi %add3A_304, %iota3A : vector<16xi32>
        %lt3A_306 = arith.constant 1000 : i32
        %lt3A_307 = vector.broadcast %lt3A_306 : i32 to vector<16xi32>
        %lt3A_308 = arith.cmpi slt, %add3A_305, %lt3A_307 : vector<16xi32>
        %gather3A_309 = tpu.vector_load_idx %arg12[%get3A_301] masked %lt3A_308 : memref<112xf32, #tpu.memory_space<vmem>>[vector<16xi32>], vector<16xf32>, vector<16xi1>
        %select_n3A_310 = arith.select %lt3A_308, %gather3A_309, %broadcast_in_dim3A_3 : vector<16xi1>, vector<16xf32>
        %add3A_311 = arith.addf %add3A_294, %select_n3A_310 : vector<16xf32>
        scf.yield %add3A_311 : vector<16xf32>
      }
      %scan3A_186 = arith.constant 63 : i32
      %reduce_sum3A = arith.constant true
      %reduce_sum3A_187 = vector.broadcast %reduce_sum3A : i1 to vector<16xi1>
      %reduce_sum3A_188 = tpu.scan <sum>, %scan3A_185 masked %reduce_sum3A_187 : vector<16xf32>, vector<16xi1> -> vector<16xf32>
      %reduce_sum3A_189 = vector.extract %reduce_sum3A_188[15] : f32 from vector<16xf32>
      %broadcast_in_dim3A_190 = vector.broadcast %reduce_sum3A_189 : f32 to vector<16xf32>
      %broadcast_in_dim3A_191 = vector.broadcast %while3A_177 : i32 to vector<16xi32>
      %gather3A = tpu.vector_load_idx %arg13[%broadcast_in_dim3A_191] : memref<112xf32, #tpu.memory_space<vmem>>[vector<16xi32>], vector<16xf32>,
      %ge3A = arith.cmpf oge, %gather3A, %broadcast_in_dim3A_190 : vector<16xf32>
      %select_n3A_192 = arith.select %ge3A, %broadcast_in_dim3A_5, %broadcast_in_dim3A_3 : vector<16xi1>, vector<16xf32>
      tpu.vector_store_idx %arg14[%broadcast_in_dim3A_191], %select_n3A_192 masked %eq3A_2 : memref<112xf32, #tpu.memory_space<vmem>>[vector<16xi32>], vector<16xf32>, vector<16xi1>
      %while3A_193 = arith.constant 0 : i32
      scf.yield %while3A_193 : i32
    }
    %dma_wait3A_133 = arith.constant 0 : i32
    %dma_wait3A_134 = tpu.memref_slice %arg17[%dma_wait3A_133] : memref<8008xi32, #tpu.memory_space<vmem>> -> memref<8000xi32, #tpu.memory_space<vmem>>
    %dma_wait3A_135 = tpu.memref_slice %arg2[%mul3A_116] : memref<100000xi32, #tpu.memory_space<hbm>> -> memref<8000xi32, #tpu.memory_space<hbm>>
    %dma_wait3A_136 = arith.constant 0 : i32
    %dma_wait3A_137 = tpu.memref_slice %arg17[%dma_wait3A_136] : memref<8008xi32, #tpu.memory_space<vmem>> -> memref<8000xi32, #tpu.memory_space<vmem>>
    %dma_wait3A_138 = tpu.memref_slice %arg2[%mul3A_116] : memref<100000xi32, #tpu.memory_space<hbm>> -> memref<8000xi32, #tpu.memory_space<hbm>>
    tpu.wait_dma2 semaphore(%arg22 : memref<!tpu.dma_semaphore, #tpu.memory_space<semaphore_mem>>) src(%dma_wait3A_138 : memref<8000xi32, #tpu.memory_space<hbm>>) dst(%dma_wait3A_137 : memref<8000xi32, #tpu.memory_space<vmem>>)
    %while3A_139:2 = scf.while (%while3A_177 = %reduce_min3A_101, %while3A_178 = %max3A_114) : (i32, i32) -> (i32, i32) {
      %le3A = arith.cmpi sle, %while3A_177, %reduce_max3A_110 : i32
      scf.condition(%le3A) %while3A_177, %while3A_178 : i32, i32
    } do {
    ^bb0(%while3A_177: i32, %while3A_178: i32):
      %add3A_179 = arith.constant 8 : i32
      %add3A_180 = arith.addi %while3A_177, %add3A_179 : i32
      %add3A_181 = arith.constant 1 : i32
      %add3A_182 = arith.addi %reduce_max3A_110, %add3A_181 : i32
      %min3A_183 = arith.minsi %add3A_180, %add3A_182 : i32
      %while3A_184 = arith.constant 0 : i32
      %while3A_185 = arith.subi %min3A_183, %while3A_177 : i32
      %while3A_186 = arith.addi %while3A_177, %while3A_185 : i32
      %while3A_187 = arith.constant 1 : i32
      %while3A_188 = arith.divsi %while3A_185, %while3A_187 : i32
      %while3A_189 = arith.muli %while3A_188, %while3A_187 : i32
      %while3A_190 = arith.addi %while3A_177, %while3A_189 : i32
      %while3A_191 = arith.constant 1 : i32
      %while3A_192 = scf.for %while3A_204 = %while3A_177 to %while3A_190 step %while3A_191 iter_args(%while3A_205 = %while3A_184) -> (i32)  : i32 {
        %sub3A_206 = arith.subi %while3A_204, %while3A_178 : i32
        %mul3A_207 = arith.constant 1000 : i32
        %mul3A_208 = arith.muli %sub3A_206, %mul3A_207 : i32
        %scan3A = arith.constant 0 : i32
        %scan3A_209 = arith.constant 63 : i32
        %scan3A_210 = arith.addi %scan3A, %scan3A_209 : i32
        %scan3A_211 = arith.constant 7 : i32
        %scan3A_212 = scf.for %scan3A_221 = %scan3A to %scan3A_210 step %scan3A_211 iter_args(%scan3A_222 = %broadcast_in_dim3A_3) -> (vector<16xf32>)  : i32 {
          %mul3A_223 = arith.constant 16 : i32
          %mul3A_224 = arith.muli %scan3A_221, %mul3A_223 : i32
          %add3A_225 = arith.addi %mul3A_208, %mul3A_224 : i32
          %get3A_226 = arith.index_cast %add3A_225 : i32 to index
          %get3A_227 = tpu.vector_load %arg17[%get3A_226] {strides = array<i32>} : memref<8008xi32, #tpu.memory_space<vmem>>, vector<16xi32>,
          %mul3A_228 = arith.constant 16 : i32
          %mul3A_229 = arith.muli %scan3A_221, %mul3A_228 : i32
          %add3A_230 = vector.broadcast %mul3A_229 : i32 to vector<16xi32>
          %add3A_231 = arith.addi %add3A_230, %iota3A : vector<16xi32>
          %lt3A = arith.constant 1000 : i32
          %lt3A_232 = vector.broadcast %lt3A : i32 to vector<16xi32>
          %lt3A_233 = arith.cmpi slt, %add3A_231, %lt3A_232 : vector<16xi32>
          %gather3A_234 = tpu.vector_load_idx %arg12[%get3A_227] masked %lt3A_233 : memref<112xf32, #tpu.memory_space<vmem>>[vector<16xi32>], vector<16xf32>, vector<16xi1>
          %select_n3A_235 = arith.select %lt3A_233, %gather3A_234, %broadcast_in_dim3A_3 : vector<16xi1>, vector<16xf32>
          %add3A_236 = arith.addf %scan3A_222, %select_n3A_235 : vector<16xf32>
          %scan3A_237 = arith.constant 1 : i32
          %scan3A_238 = arith.addi %scan3A_221, %scan3A_237 : i32
          %mul3A_239 = arith.constant 16 : i32
          %mul3A_240 = arith.muli %scan3A_238, %mul3A_239 : i32
          %add3A_241 = arith.addi %mul3A_208, %mul3A_240 : i32
          %get3A_242 = arith.index_cast %add3A_241 : i32 to index
          %get3A_243 = tpu.vector_load %arg17[%get3A_242] {strides = array<i32>} : memref<8008xi32, #tpu.memory_space<vmem>>, vector<16xi32>,
          %mul3A_244 = arith.constant 16 : i32
          %mul3A_245 = arith.muli %scan3A_238, %mul3A_244 : i32
          %add3A_246 = vector.broadcast %mul3A_245 : i32 to vector<16xi32>
          %add3A_247 = arith.addi %add3A_246, %iota3A : vector<16xi32>
          %lt3A_248 = arith.constant 1000 : i32
          %lt3A_249 = vector.broadcast %lt3A_248 : i32 to vector<16xi32>
          %lt3A_250 = arith.cmpi slt, %add3A_247, %lt3A_249 : vector<16xi32>
          %gather3A_251 = tpu.vector_load_idx %arg12[%get3A_243] masked %lt3A_250 : memref<112xf32, #tpu.memory_space<vmem>>[vector<16xi32>], vector<16xf32>, vector<16xi1>
          %select_n3A_252 = arith.select %lt3A_250, %gather3A_251, %broadcast_in_dim3A_3 : vector<16xi1>, vector<16xf32>
          %add3A_253 = arith.addf %add3A_236, %select_n3A_252 : vector<16xf32>
          %scan3A_254 = arith.constant 2 : i32
          %scan3A_255 = arith.addi %scan3A_221, %scan3A_254 : i32
          %mul3A_256 = arith.constant 16 : i32
          %mul3A_257 = arith.muli %scan3A_255, %mul3A_256 : i32
          %add3A_258 = arith.addi %mul3A_208, %mul3A_257 : i32
          %get3A_259 = arith.index_cast %add3A_258 : i32 to index
          %get3A_260 = tpu.vector_load %arg17[%get3A_259] {strides = array<i32>} : memref<8008xi32, #tpu.memory_space<vmem>>, vector<16xi32>,
          %mul3A_261 = arith.constant 16 : i32
          %mul3A_262 = arith.muli %scan3A_255, %mul3A_261 : i32
          %add3A_263 = vector.broadcast %mul3A_262 : i32 to vector<16xi32>
          %add3A_264 = arith.addi %add3A_263, %iota3A : vector<16xi32>
          %lt3A_265 = arith.constant 1000 : i32
          %lt3A_266 = vector.broadcast %lt3A_265 : i32 to vector<16xi32>
          %lt3A_267 = arith.cmpi slt, %add3A_264, %lt3A_266 : vector<16xi32>
          %gather3A_268 = tpu.vector_load_idx %arg12[%get3A_260] masked %lt3A_267 : memref<112xf32, #tpu.memory_space<vmem>>[vector<16xi32>], vector<16xf32>, vector<16xi1>
          %select_n3A_269 = arith.select %lt3A_267, %gather3A_268, %broadcast_in_dim3A_3 : vector<16xi1>, vector<16xf32>
          %add3A_270 = arith.addf %add3A_253, %select_n3A_269 : vector<16xf32>
          %scan3A_271 = arith.constant 3 : i32
          %scan3A_272 = arith.addi %scan3A_221, %scan3A_271 : i32
          %mul3A_273 = arith.constant 16 : i32
          %mul3A_274 = arith.muli %scan3A_272, %mul3A_273 : i32
          %add3A_275 = arith.addi %mul3A_208, %mul3A_274 : i32
          %get3A_276 = arith.index_cast %add3A_275 : i32 to index
          %get3A_277 = tpu.vector_load %arg17[%get3A_276] {strides = array<i32>} : memref<8008xi32, #tpu.memory_space<vmem>>, vector<16xi32>,
          %mul3A_278 = arith.constant 16 : i32
          %mul3A_279 = arith.muli %scan3A_272, %mul3A_278 : i32
          %add3A_280 = vector.broadcast %mul3A_279 : i32 to vector<16xi32>
          %add3A_281 = arith.addi %add3A_280, %iota3A : vector<16xi32>
          %lt3A_282 = arith.constant 1000 : i32
          %lt3A_283 = vector.broadcast %lt3A_282 : i32 to vector<16xi32>
          %lt3A_284 = arith.cmpi slt, %add3A_281, %lt3A_283 : vector<16xi32>
          %gather3A_285 = tpu.vector_load_idx %arg12[%get3A_277] masked %lt3A_284 : memref<112xf32, #tpu.memory_space<vmem>>[vector<16xi32>], vector<16xf32>, vector<16xi1>
          %select_n3A_286 = arith.select %lt3A_284, %gather3A_285, %broadcast_in_dim3A_3 : vector<16xi1>, vector<16xf32>
          %add3A_287 = arith.addf %add3A_270, %select_n3A_286 : vector<16xf32>
          %scan3A_288 = arith.constant 4 : i32
          %scan3A_289 = arith.addi %scan3A_221, %scan3A_288 : i32
          %mul3A_290 = arith.constant 16 : i32
          %mul3A_291 = arith.muli %scan3A_289, %mul3A_290 : i32
          %add3A_292 = arith.addi %mul3A_208, %mul3A_291 : i32
          %get3A_293 = arith.index_cast %add3A_292 : i32 to index
          %get3A_294 = tpu.vector_load %arg17[%get3A_293] {strides = array<i32>} : memref<8008xi32, #tpu.memory_space<vmem>>, vector<16xi32>,
          %mul3A_295 = arith.constant 16 : i32
          %mul3A_296 = arith.muli %scan3A_289, %mul3A_295 : i32
          %add3A_297 = vector.broadcast %mul3A_296 : i32 to vector<16xi32>
          %add3A_298 = arith.addi %add3A_297, %iota3A : vector<16xi32>
          %lt3A_299 = arith.constant 1000 : i32
          %lt3A_300 = vector.broadcast %lt3A_299 : i32 to vector<16xi32>
          %lt3A_301 = arith.cmpi slt, %add3A_298, %lt3A_300 : vector<16xi32>
          %gather3A_302 = tpu.vector_load_idx %arg12[%get3A_294] masked %lt3A_301 : memref<112xf32, #tpu.memory_space<vmem>>[vector<16xi32>], vector<16xf32>, vector<16xi1>
          %select_n3A_303 = arith.select %lt3A_301, %gather3A_302, %broadcast_in_dim3A_3 : vector<16xi1>, vector<16xf32>
          %add3A_304 = arith.addf %add3A_287, %select_n3A_303 : vector<16xf32>
          %scan3A_305 = arith.constant 5 : i32
          %scan3A_306 = arith.addi %scan3A_221, %scan3A_305 : i32
          %mul3A_307 = arith.constant 16 : i32
          %mul3A_308 = arith.muli %scan3A_306, %mul3A_307 : i32
          %add3A_309 = arith.addi %mul3A_208, %mul3A_308 : i32
          %get3A_310 = arith.index_cast %add3A_309 : i32 to index
          %get3A_311 = tpu.vector_load %arg17[%get3A_310] {strides = array<i32>} : memref<8008xi32, #tpu.memory_space<vmem>>, vector<16xi32>,
          %mul3A_312 = arith.constant 16 : i32
          %mul3A_313 = arith.muli %scan3A_306, %mul3A_312 : i32
          %add3A_314 = vector.broadcast %mul3A_313 : i32 to vector<16xi32>
          %add3A_315 = arith.addi %add3A_314, %iota3A : vector<16xi32>
          %lt3A_316 = arith.constant 1000 : i32
          %lt3A_317 = vector.broadcast %lt3A_316 : i32 to vector<16xi32>
          %lt3A_318 = arith.cmpi slt, %add3A_315, %lt3A_317 : vector<16xi32>
          %gather3A_319 = tpu.vector_load_idx %arg12[%get3A_311] masked %lt3A_318 : memref<112xf32, #tpu.memory_space<vmem>>[vector<16xi32>], vector<16xf32>, vector<16xi1>
          %select_n3A_320 = arith.select %lt3A_318, %gather3A_319, %broadcast_in_dim3A_3 : vector<16xi1>, vector<16xf32>
          %add3A_321 = arith.addf %add3A_304, %select_n3A_320 : vector<16xf32>
          %scan3A_322 = arith.constant 6 : i32
          %scan3A_323 = arith.addi %scan3A_221, %scan3A_322 : i32
          %mul3A_324 = arith.constant 16 : i32
          %mul3A_325 = arith.muli %scan3A_323, %mul3A_324 : i32
          %add3A_326 = arith.addi %mul3A_208, %mul3A_325 : i32
          %get3A_327 = arith.index_cast %add3A_326 : i32 to index
          %get3A_328 = tpu.vector_load %arg17[%get3A_327] {strides = array<i32>} : memref<8008xi32, #tpu.memory_space<vmem>>, vector<16xi32>,
          %mul3A_329 = arith.constant 16 : i32
          %mul3A_330 = arith.muli %scan3A_323, %mul3A_329 : i32
          %add3A_331 = vector.broadcast %mul3A_330 : i32 to vector<16xi32>
          %add3A_332 = arith.addi %add3A_331, %iota3A : vector<16xi32>
          %lt3A_333 = arith.constant 1000 : i32
          %lt3A_334 = vector.broadcast %lt3A_333 : i32 to vector<16xi32>
          %lt3A_335 = arith.cmpi slt, %add3A_332, %lt3A_334 : vector<16xi32>
          %gather3A_336 = tpu.vector_load_idx %arg12[%get3A_328] masked %lt3A_335 : memref<112xf32, #tpu.memory_space<vmem>>[vector<16xi32>], vector<16xf32>, vector<16xi1>
          %select_n3A_337 = arith.select %lt3A_335, %gather3A_336, %broadcast_in_dim3A_3 : vector<16xi1>, vector<16xf32>
          %add3A_338 = arith.addf %add3A_321, %select_n3A_337 : vector<16xf32>
          scf.yield %add3A_338 : vector<16xf32>
        }
        %scan3A_213 = arith.constant 63 : i32
        %reduce_sum3A = arith.constant true
        %reduce_sum3A_214 = vector.broadcast %reduce_sum3A : i1 to vector<16xi1>
        %reduce_sum3A_215 = tpu.scan <sum>, %scan3A_212 masked %reduce_sum3A_214 : vector<16xf32>, vector<16xi1> -> vector<16xf32>
        %reduce_sum3A_216 = vector.extract %reduce_sum3A_215[15] : f32 from vector<16xf32>
        %broadcast_in_dim3A_217 = vector.broadcast %reduce_sum3A_216 : f32 to vector<16xf32>
        %broadcast_in_dim3A_218 = vector.broadcast %while3A_204 : i32 to vector<16xi32>
        %gather3A = tpu.vector_load_idx %arg13[%broadcast_in_dim3A_218] : memref<112xf32, #tpu.memory_space<vmem>>[vector<16xi32>], vector<16xf32>,
        %ge3A = arith.cmpf oge, %gather3A, %broadcast_in_dim3A_217 : vector<16xf32>
        %select_n3A_219 = arith.select %ge3A, %broadcast_in_dim3A_5, %broadcast_in_dim3A_3 : vector<16xi1>, vector<16xf32>
        tpu.vector_store_idx %arg14[%broadcast_in_dim3A_218], %select_n3A_219 masked %eq3A_2 : memref<112xf32, #tpu.memory_space<vmem>>[vector<16xi32>], vector<16xf32>, vector<16xi1>
        %while3A_220 = arith.constant 0 : i32
        scf.yield %while3A_220 : i32
      }
      %while3A_193 = arith.constant 1 : i32
      %while3A_194 = scf.for %while3A_204 = %while3A_190 to %while3A_186 step %while3A_193 iter_args(%while3A_205 = %while3A_192) -> (i32)  : i32 {
        %sub3A_206 = arith.subi %while3A_204, %while3A_178 : i32
        %mul3A_207 = arith.constant 1000 : i32
        %mul3A_208 = arith.muli %sub3A_206, %mul3A_207 : i32
        %scan3A = arith.constant 0 : i32
        %scan3A_209 = arith.constant 63 : i32
        %scan3A_210 = arith.addi %scan3A, %scan3A_209 : i32
        %scan3A_211 = arith.constant 7 : i32
        %scan3A_212 = scf.for %scan3A_221 = %scan3A to %scan3A_210 step %scan3A_211 iter_args(%scan3A_222 = %broadcast_in_dim3A_3) -> (vector<16xf32>)  : i32 {
          %mul3A_223 = arith.constant 16 : i32
          %mul3A_224 = arith.muli %scan3A_221, %mul3A_223 : i32
          %add3A_225 = arith.addi %mul3A_208, %mul3A_224 : i32
          %get3A_226 = arith.index_cast %add3A_225 : i32 to index
          %get3A_227 = tpu.vector_load %arg17[%get3A_226] {strides = array<i32>} : memref<8008xi32, #tpu.memory_space<vmem>>, vector<16xi32>,
          %mul3A_228 = arith.constant 16 : i32
          %mul3A_229 = arith.muli %scan3A_221, %mul3A_228 : i32
          %add3A_230 = vector.broadcast %mul3A_229 : i32 to vector<16xi32>
          %add3A_231 = arith.addi %add3A_230, %iota3A : vector<16xi32>
          %lt3A = arith.constant 1000 : i32
          %lt3A_232 = vector.broadcast %lt3A : i32 to vector<16xi32>
          %lt3A_233 = arith.cmpi slt, %add3A_231, %lt3A_232 : vector<16xi32>
          %gather3A_234 = tpu.vector_load_idx %arg12[%get3A_227] masked %lt3A_233 : memref<112xf32, #tpu.memory_space<vmem>>[vector<16xi32>], vector<16xf32>, vector<16xi1>
          %select_n3A_235 = arith.select %lt3A_233, %gather3A_234, %broadcast_in_dim3A_3 : vector<16xi1>, vector<16xf32>
          %add3A_236 = arith.addf %scan3A_222, %select_n3A_235 : vector<16xf32>
          %scan3A_237 = arith.constant 1 : i32
          %scan3A_238 = arith.addi %scan3A_221, %scan3A_237 : i32
          %mul3A_239 = arith.constant 16 : i32
          %mul3A_240 = arith.muli %scan3A_238, %mul3A_239 : i32
          %add3A_241 = arith.addi %mul3A_208, %mul3A_240 : i32
          %get3A_242 = arith.index_cast %add3A_241 : i32 to index
          %get3A_243 = tpu.vector_load %arg17[%get3A_242] {strides = array<i32>} : memref<8008xi32, #tpu.memory_space<vmem>>, vector<16xi32>,
          %mul3A_244 = arith.constant 16 : i32
          %mul3A_245 = arith.muli %scan3A_238, %mul3A_244 : i32
          %add3A_246 = vector.broadcast %mul3A_245 : i32 to vector<16xi32>
          %add3A_247 = arith.addi %add3A_246, %iota3A : vector<16xi32>
          %lt3A_248 = arith.constant 1000 : i32
          %lt3A_249 = vector.broadcast %lt3A_248 : i32 to vector<16xi32>
          %lt3A_250 = arith.cmpi slt, %add3A_247, %lt3A_249 : vector<16xi32>
          %gather3A_251 = tpu.vector_load_idx %arg12[%get3A_243] masked %lt3A_250 : memref<112xf32, #tpu.memory_space<vmem>>[vector<16xi32>], vector<16xf32>, vector<16xi1>
          %select_n3A_252 = arith.select %lt3A_250, %gather3A_251, %broadcast_in_dim3A_3 : vector<16xi1>, vector<16xf32>
          %add3A_253 = arith.addf %add3A_236, %select_n3A_252 : vector<16xf32>
          %scan3A_254 = arith.constant 2 : i32
          %scan3A_255 = arith.addi %scan3A_221, %scan3A_254 : i32
          %mul3A_256 = arith.constant 16 : i32
          %mul3A_257 = arith.muli %scan3A_255, %mul3A_256 : i32
          %add3A_258 = arith.addi %mul3A_208, %mul3A_257 : i32
          %get3A_259 = arith.index_cast %add3A_258 : i32 to index
          %get3A_260 = tpu.vector_load %arg17[%get3A_259] {strides = array<i32>} : memref<8008xi32, #tpu.memory_space<vmem>>, vector<16xi32>,
          %mul3A_261 = arith.constant 16 : i32
          %mul3A_262 = arith.muli %scan3A_255, %mul3A_261 : i32
          %add3A_263 = vector.broadcast %mul3A_262 : i32 to vector<16xi32>
          %add3A_264 = arith.addi %add3A_263, %iota3A : vector<16xi32>
          %lt3A_265 = arith.constant 1000 : i32
          %lt3A_266 = vector.broadcast %lt3A_265 : i32 to vector<16xi32>
          %lt3A_267 = arith.cmpi slt, %add3A_264, %lt3A_266 : vector<16xi32>
          %gather3A_268 = tpu.vector_load_idx %arg12[%get3A_260] masked %lt3A_267 : memref<112xf32, #tpu.memory_space<vmem>>[vector<16xi32>], vector<16xf32>, vector<16xi1>
          %select_n3A_269 = arith.select %lt3A_267, %gather3A_268, %broadcast_in_dim3A_3 : vector<16xi1>, vector<16xf32>
          %add3A_270 = arith.addf %add3A_253, %select_n3A_269 : vector<16xf32>
          %scan3A_271 = arith.constant 3 : i32
          %scan3A_272 = arith.addi %scan3A_221, %scan3A_271 : i32
          %mul3A_273 = arith.constant 16 : i32
          %mul3A_274 = arith.muli %scan3A_272, %mul3A_273 : i32
          %add3A_275 = arith.addi %mul3A_208, %mul3A_274 : i32
          %get3A_276 = arith.index_cast %add3A_275 : i32 to index
          %get3A_277 = tpu.vector_load %arg17[%get3A_276] {strides = array<i32>} : memref<8008xi32, #tpu.memory_space<vmem>>, vector<16xi32>,
          %mul3A_278 = arith.constant 16 : i32
          %mul3A_279 = arith.muli %scan3A_272, %mul3A_278 : i32
          %add3A_280 = vector.broadcast %mul3A_279 : i32 to vector<16xi32>
          %add3A_281 = arith.addi %add3A_280, %iota3A : vector<16xi32>
          %lt3A_282 = arith.constant 1000 : i32
          %lt3A_283 = vector.broadcast %lt3A_282 : i32 to vector<16xi32>
          %lt3A_284 = arith.cmpi slt, %add3A_281, %lt3A_283 : vector<16xi32>
          %gather3A_285 = tpu.vector_load_idx %arg12[%get3A_277] masked %lt3A_284 : memref<112xf32, #tpu.memory_space<vmem>>[vector<16xi32>], vector<16xf32>, vector<16xi1>
          %select_n3A_286 = arith.select %lt3A_284, %gather3A_285, %broadcast_in_dim3A_3 : vector<16xi1>, vector<16xf32>
          %add3A_287 = arith.addf %add3A_270, %select_n3A_286 : vector<16xf32>
          %scan3A_288 = arith.constant 4 : i32
          %scan3A_289 = arith.addi %scan3A_221, %scan3A_288 : i32
          %mul3A_290 = arith.constant 16 : i32
          %mul3A_291 = arith.muli %scan3A_289, %mul3A_290 : i32
          %add3A_292 = arith.addi %mul3A_208, %mul3A_291 : i32
          %get3A_293 = arith.index_cast %add3A_292 : i32 to index
          %get3A_294 = tpu.vector_load %arg17[%get3A_293] {strides = array<i32>} : memref<8008xi32, #tpu.memory_space<vmem>>, vector<16xi32>,
          %mul3A_295 = arith.constant 16 : i32
          %mul3A_296 = arith.muli %scan3A_289, %mul3A_295 : i32
          %add3A_297 = vector.broadcast %mul3A_296 : i32 to vector<16xi32>
          %add3A_298 = arith.addi %add3A_297, %iota3A : vector<16xi32>
          %lt3A_299 = arith.constant 1000 : i32
          %lt3A_300 = vector.broadcast %lt3A_299 : i32 to vector<16xi32>
          %lt3A_301 = arith.cmpi slt, %add3A_298, %lt3A_300 : vector<16xi32>
          %gather3A_302 = tpu.vector_load_idx %arg12[%get3A_294] masked %lt3A_301 : memref<112xf32, #tpu.memory_space<vmem>>[vector<16xi32>], vector<16xf32>, vector<16xi1>
          %select_n3A_303 = arith.select %lt3A_301, %gather3A_302, %broadcast_in_dim3A_3 : vector<16xi1>, vector<16xf32>
          %add3A_304 = arith.addf %add3A_287, %select_n3A_303 : vector<16xf32>
          %scan3A_305 = arith.constant 5 : i32
          %scan3A_306 = arith.addi %scan3A_221, %scan3A_305 : i32
          %mul3A_307 = arith.constant 16 : i32
          %mul3A_308 = arith.muli %scan3A_306, %mul3A_307 : i32
          %add3A_309 = arith.addi %mul3A_208, %mul3A_308 : i32
          %get3A_310 = arith.index_cast %add3A_309 : i32 to index
          %get3A_311 = tpu.vector_load %arg17[%get3A_310] {strides = array<i32>} : memref<8008xi32, #tpu.memory_space<vmem>>, vector<16xi32>,
          %mul3A_312 = arith.constant 16 : i32
          %mul3A_313 = arith.muli %scan3A_306, %mul3A_312 : i32
          %add3A_314 = vector.broadcast %mul3A_313 : i32 to vector<16xi32>
          %add3A_315 = arith.addi %add3A_314, %iota3A : vector<16xi32>
          %lt3A_316 = arith.constant 1000 : i32
          %lt3A_317 = vector.broadcast %lt3A_316 : i32 to vector<16xi32>
          %lt3A_318 = arith.cmpi slt, %add3A_315, %lt3A_317 : vector<16xi32>
          %gather3A_319 = tpu.vector_load_idx %arg12[%get3A_311] masked %lt3A_318 : memref<112xf32, #tpu.memory_space<vmem>>[vector<16xi32>], vector<16xf32>, vector<16xi1>
          %select_n3A_320 = arith.select %lt3A_318, %gather3A_319, %broadcast_in_dim3A_3 : vector<16xi1>, vector<16xf32>
          %add3A_321 = arith.addf %add3A_304, %select_n3A_320 : vector<16xf32>
          %scan3A_322 = arith.constant 6 : i32
          %scan3A_323 = arith.addi %scan3A_221, %scan3A_322 : i32
          %mul3A_324 = arith.constant 16 : i32
          %mul3A_325 = arith.muli %scan3A_323, %mul3A_324 : i32
          %add3A_326 = arith.addi %mul3A_208, %mul3A_325 : i32
          %get3A_327 = arith.index_cast %add3A_326 : i32 to index
          %get3A_328 = tpu.vector_load %arg17[%get3A_327] {strides = array<i32>} : memref<8008xi32, #tpu.memory_space<vmem>>, vector<16xi32>,
          %mul3A_329 = arith.constant 16 : i32
          %mul3A_330 = arith.muli %scan3A_323, %mul3A_329 : i32
          %add3A_331 = vector.broadcast %mul3A_330 : i32 to vector<16xi32>
          %add3A_332 = arith.addi %add3A_331, %iota3A : vector<16xi32>
          %lt3A_333 = arith.constant 1000 : i32
          %lt3A_334 = vector.broadcast %lt3A_333 : i32 to vector<16xi32>
          %lt3A_335 = arith.cmpi slt, %add3A_332, %lt3A_334 : vector<16xi32>
          %gather3A_336 = tpu.vector_load_idx %arg12[%get3A_328] masked %lt3A_335 : memref<112xf32, #tpu.memory_space<vmem>>[vector<16xi32>], vector<16xf32>, vector<16xi1>
          %select_n3A_337 = arith.select %lt3A_335, %gather3A_336, %broadcast_in_dim3A_3 : vector<16xi1>, vector<16xf32>
          %add3A_338 = arith.addf %add3A_321, %select_n3A_337 : vector<16xf32>
          scf.yield %add3A_338 : vector<16xf32>
        }
        %scan3A_213 = arith.constant 63 : i32
        %reduce_sum3A = arith.constant true
        %reduce_sum3A_214 = vector.broadcast %reduce_sum3A : i1 to vector<16xi1>
        %reduce_sum3A_215 = tpu.scan <sum>, %scan3A_212 masked %reduce_sum3A_214 : vector<16xf32>, vector<16xi1> -> vector<16xf32>
        %reduce_sum3A_216 = vector.extract %reduce_sum3A_215[15] : f32 from vector<16xf32>
        %broadcast_in_dim3A_217 = vector.broadcast %reduce_sum3A_216 : f32 to vector<16xf32>
        %broadcast_in_dim3A_218 = vector.broadcast %while3A_204 : i32 to vector<16xi32>
        %gather3A = tpu.vector_load_idx %arg13[%broadcast_in_dim3A_218] : memref<112xf32, #tpu.memory_space<vmem>>[vector<16xi32>], vector<16xf32>,
        %ge3A = arith.cmpf oge, %gather3A, %broadcast_in_dim3A_217 : vector<16xf32>
        %select_n3A_219 = arith.select %ge3A, %broadcast_in_dim3A_5, %broadcast_in_dim3A_3 : vector<16xi1>, vector<16xf32>
        tpu.vector_store_idx %arg14[%broadcast_in_dim3A_218], %select_n3A_219 masked %eq3A_2 : memref<112xf32, #tpu.memory_space<vmem>>[vector<16xi32>], vector<16xf32>, vector<16xi1>
        %while3A_220 = arith.constant 0 : i32
        scf.yield %while3A_220 : i32
      }
      %add3A_195 = arith.constant 8 : i32
      %add3A_196 = arith.addi %while3A_177, %add3A_195 : i32
      %min3A_197 = arith.constant 92 : i32
      %min3A_198 = arith.minsi %add3A_196, %min3A_197 : i32
      %max3A_199 = arith.constant 0 : i32
      %max3A_200 = arith.maxsi %max3A_199, %min3A_198 : i32
      %le3A = arith.cmpi sle, %add3A_196, %reduce_max3A_110 : i32
      %convert_element_type3A_201 = arith.extui %le3A : i1 to i32
      %cond3A_202 = arith.constant 0 : i32
      %cond3A_203 = arith.cmpi ne, %convert_element_type3A_201, %cond3A_202 : i32
      scf.if %cond3A_203 {
        %mul3A_204 = arith.constant 1000 : i32
        %mul3A_205 = arith.muli %max3A_200, %mul3A_204 : i32
        "tpu.region"() ({
          %run_scoped3A = tpu.sem_alloc : memref<!tpu.dma_semaphore, #tpu.memory_space<semaphore_mem>>
          %dma_start3A_206 = arith.constant 0 : i32
          %dma_start3A_207 = tpu.memref_slice %arg17[%dma_start3A_206] : memref<8008xi32, #tpu.memory_space<vmem>> -> memref<8000xi32, #tpu.memory_space<vmem>>
          %dma_start3A_208 = tpu.memref_slice %arg2[%mul3A_205] : memref<100000xi32, #tpu.memory_space<hbm>> -> memref<8000xi32, #tpu.memory_space<hbm>>
          %dma_start3A_209 = arith.constant 0 : i32
          %dma_start3A_210 = tpu.memref_slice %arg17[%dma_start3A_209] : memref<8008xi32, #tpu.memory_space<vmem>> -> memref<8000xi32, #tpu.memory_space<vmem>>
          %dma_start3A_211 = tpu.memref_slice %arg2[%mul3A_205] : memref<100000xi32, #tpu.memory_space<hbm>> -> memref<8000xi32, #tpu.memory_space<hbm>>
          tpu.enqueue_dma source(%dma_start3A_211 : memref<8000xi32, #tpu.memory_space<hbm>>) target(%dma_start3A_210 : memref<8000xi32, #tpu.memory_space<vmem>>) target_semaphore(%run_scoped3A : memref<!tpu.dma_semaphore, #tpu.memory_space<semaphore_mem>>)
          %dma_wait3A_212 = arith.constant 0 : i32
          %dma_wait3A_213 = tpu.memref_slice %arg17[%dma_wait3A_212] : memref<8008xi32, #tpu.memory_space<vmem>> -> memref<8000xi32, #tpu.memory_space<vmem>>
          %dma_wait3A_214 = tpu.memref_slice %arg2[%mul3A_205] : memref<100000xi32, #tpu.memory_space<hbm>> -> memref<8000xi32, #tpu.memory_space<hbm>>
          %dma_wait3A_215 = arith.constant 0 : i32
          %dma_wait3A_216 = tpu.memref_slice %arg17[%dma_wait3A_215] : memref<8008xi32, #tpu.memory_space<vmem>> -> memref<8000xi32, #tpu.memory_space<vmem>>
          %dma_wait3A_217 = tpu.memref_slice %arg2[%mul3A_205] : memref<100000xi32, #tpu.memory_space<hbm>> -> memref<8000xi32, #tpu.memory_space<hbm>>
          tpu.wait_dma2 semaphore(%run_scoped3A : memref<!tpu.dma_semaphore, #tpu.memory_space<semaphore_mem>>) src(%dma_wait3A_217 : memref<8000xi32, #tpu.memory_space<hbm>>) dst(%dma_wait3A_216 : memref<8000xi32, #tpu.memory_space<vmem>>)
          tpu.yield
        }) : () -> ()
      } else {
      }
      scf.yield %add3A_196, %max3A_200 : i32, i32
    }
    %sub3A_140 = arith.subi %reduce_max3A_110, %reduce_min3A_101 : i32
    %jit3A = arith.constant 16 : i32
    %div3A = arith.divsi %sub3A_140, %jit3A : i32
    %sign3A = arith.constant 0 : i32
    %sign3A_141 = arith.cmpi sgt, %sub3A_140, %sign3A : i32
    %sign3A_142 = arith.extui %sign3A_141 : i1 to i32
    %sign3A_143 = arith.constant 0 : i32
    %sign3A_144 = arith.cmpi slt, %sub3A_140, %sign3A_143 : i32
    %sign3A_145 = arith.extui %sign3A_144 : i1 to i32
    %sign3A_146 = arith.subi %sign3A_142, %sign3A_145 : i32
    %sign3A_147 = arith.constant 0 : i32
    %sign3A_148 = arith.cmpi sgt, %jit3A, %sign3A_147 : i32
    %sign3A_149 = arith.extui %sign3A_148 : i1 to i32
    %sign3A_150 = arith.constant 0 : i32
    %sign3A_151 = arith.cmpi slt, %jit3A, %sign3A_150 : i32
    %sign3A_152 = arith.extui %sign3A_151 : i1 to i32
    %sign3A_153 = arith.subi %sign3A_149, %sign3A_152 : i32
    %ne3A = arith.cmpi ne, %sign3A_146, %sign3A_153 : i32
    %rem3A = arith.remsi %sub3A_140, %jit3A : i32
    %ne3A_154 = arith.constant 0 : i32
    %ne3A_155 = arith.cmpi ne, %rem3A, %ne3A_154 : i32
    %and3A = arith.andi %ne3A, %ne3A_155 : i1
    %sub3A_156 = arith.constant 1 : i32
    %sub3A_157 = arith.subi %div3A, %sub3A_156 : i32
    %select_n3A = arith.select %and3A, %sub3A_157, %div3A : i32
    %add3A_158 = arith.constant 1 : i32
    %add3A_159 = arith.addi %select_n3A, %add3A_158 : i32
    %broadcast_in_dim3A_160 = vector.broadcast %reduce_max3A_110 : i32 to vector<16xi32>
    %while3A_161 = arith.constant 0 : i32
    %while3A_162 = arith.constant 1.000000e+00 : f32
    %while3A_163 = arith.subi %add3A_159, %while3A_161 : i32
    %while3A_164 = arith.addi %while3A_161, %while3A_163 : i32
    %while3A_165 = arith.constant 1 : i32
    %while3A_166 = arith.divsi %while3A_163, %while3A_165 : i32
    %while3A_167 = arith.muli %while3A_166, %while3A_165 : i32
    %while3A_168 = arith.addi %while3A_161, %while3A_167 : i32
    %while3A_169 = arith.constant 1 : i32
    %while3A_170 = scf.for %while3A_177 = %while3A_161 to %while3A_168 step %while3A_169 iter_args(%while3A_178 = %while3A_162) -> (f32)  : i32 {
      %mul3A_179 = arith.constant 16 : i32
      %mul3A_180 = arith.muli %while3A_177, %mul3A_179 : i32
      %add3A_181 = arith.addi %reduce_min3A_101, %mul3A_180 : i32
      %add3A_182 = vector.broadcast %add3A_181 : i32 to vector<16xi32>
      %add3A_183 = arith.addi %add3A_182, %iota3A : vector<16xi32>
      %min3A_184 = arith.minsi %add3A_183, %broadcast_in_dim3A_160 : vector<16xi32>
      %gather3A = tpu.vector_load_idx %arg14[%min3A_184] : memref<112xf32, #tpu.memory_space<vmem>>[vector<16xi32>], vector<16xf32>,
      %reduce_min3A_185 = arith.constant true
      %reduce_min3A_186 = vector.broadcast %reduce_min3A_185 : i1 to vector<16xi1>
      %reduce_min3A_187 = tpu.scan <min>, %gather3A masked %reduce_min3A_186 : vector<16xf32>, vector<16xi1> -> vector<16xf32>
      %reduce_min3A_188 = vector.extract %reduce_min3A_187[15] : f32 from vector<16xf32>
      %min3A_189 = arith.minimumf %while3A_178, %reduce_min3A_188 : f32
      scf.yield %min3A_189 : f32
    }
    %while3A_171 = arith.constant 1 : i32
    %while3A_172 = scf.for %while3A_177 = %while3A_168 to %while3A_164 step %while3A_171 iter_args(%while3A_178 = %while3A_170) -> (f32)  : i32 {
      %mul3A_179 = arith.constant 16 : i32
      %mul3A_180 = arith.muli %while3A_177, %mul3A_179 : i32
      %add3A_181 = arith.addi %reduce_min3A_101, %mul3A_180 : i32
      %add3A_182 = vector.broadcast %add3A_181 : i32 to vector<16xi32>
      %add3A_183 = arith.addi %add3A_182, %iota3A : vector<16xi32>
      %min3A_184 = arith.minsi %add3A_183, %broadcast_in_dim3A_160 : vector<16xi32>
      %gather3A = tpu.vector_load_idx %arg14[%min3A_184] : memref<112xf32, #tpu.memory_space<vmem>>[vector<16xi32>], vector<16xf32>,
      %reduce_min3A_185 = arith.constant true
      %reduce_min3A_186 = vector.broadcast %reduce_min3A_185 : i1 to vector<16xi1>
      %reduce_min3A_187 = tpu.scan <min>, %gather3A masked %reduce_min3A_186 : vector<16xf32>, vector<16xi1> -> vector<16xf32>
      %reduce_min3A_188 = vector.extract %reduce_min3A_187[15] : f32 from vector<16xf32>
      %min3A_189 = arith.minimumf %while3A_178, %reduce_min3A_188 : f32
      scf.yield %min3A_189 : f32
    }
    %gt3A = arith.constant 0.000000e+00 : f32
    %gt3A_173 = arith.cmpf ogt, %while3A_172, %gt3A : f32
    %convert_element_type3A = arith.extui %gt3A_173 : i1 to i32
    %cond3A = arith.constant 0 : i32
    %cond3A_174 = arith.constant 0 : i32
    %cond3A_175 = arith.cmpi ne, %convert_element_type3A, %cond3A_174 : i32
    %cond3A_176 = scf.if %cond3A_175 -> (i32) {
      %cond3A_177 = arith.constant 0 : i32
      scf.yield %cond3A_177 : i32
    } else {
      %add3A_177 = arith.constant 1 : i32
      %add3A_178 = arith.addi %reduce_max3A_110, %add3A_177 : i32
      %while3A_179 = arith.constant 0 : i32
      %while3A_180 = arith.subi %add3A_178, %reduce_min3A_101 : i32
      %while3A_181 = arith.addi %reduce_min3A_101, %while3A_180 : i32
      %while3A_182 = arith.constant 1 : i32
      %while3A_183 = arith.divsi %while3A_180, %while3A_182 : i32
      %while3A_184 = arith.muli %while3A_183, %while3A_182 : i32
      %while3A_185 = arith.addi %reduce_min3A_101, %while3A_184 : i32
      %while3A_186 = arith.constant 1 : i32
      %while3A_187 = scf.for %while3A_194 = %reduce_min3A_101 to %while3A_185 step %while3A_186 iter_args(%while3A_195 = %while3A_179) -> (i32)  : i32 {
        %mul3A_196 = arith.constant 1000 : i32
        %mul3A_197 = arith.muli %while3A_194, %mul3A_196 : i32
        "tpu.region"() ({
          %run_scoped3A = tpu.sem_alloc : memref<!tpu.dma_semaphore, #tpu.memory_space<semaphore_mem>>
          %dma_start3A_205 = arith.constant 0 : i32
          %dma_start3A_206 = tpu.memref_slice %arg16[%dma_start3A_205] : memref<8008xi32, #tpu.memory_space<vmem>> -> memref<1000xi32, #tpu.memory_space<vmem>>
          %dma_start3A_207 = tpu.memref_slice %arg2[%mul3A_197] : memref<100000xi32, #tpu.memory_space<hbm>> -> memref<1000xi32, #tpu.memory_space<hbm>>
          %dma_start3A_208 = arith.constant 0 : i32
          %dma_start3A_209 = tpu.memref_slice %arg16[%dma_start3A_208] : memref<8008xi32, #tpu.memory_space<vmem>> -> memref<1000xi32, #tpu.memory_space<vmem>>
          %dma_start3A_210 = tpu.memref_slice %arg2[%mul3A_197] : memref<100000xi32, #tpu.memory_space<hbm>> -> memref<1000xi32, #tpu.memory_space<hbm>>
          tpu.enqueue_dma source(%dma_start3A_210 : memref<1000xi32, #tpu.memory_space<hbm>>) target(%dma_start3A_209 : memref<1000xi32, #tpu.memory_space<vmem>>) target_semaphore(%run_scoped3A : memref<!tpu.dma_semaphore, #tpu.memory_space<semaphore_mem>>)
          %dma_wait3A_211 = arith.constant 0 : i32
          %dma_wait3A_212 = tpu.memref_slice %arg16[%dma_wait3A_211] : memref<8008xi32, #tpu.memory_space<vmem>> -> memref<1000xi32, #tpu.memory_space<vmem>>
          %dma_wait3A_213 = tpu.memref_slice %arg2[%mul3A_197] : memref<100000xi32, #tpu.memory_space<hbm>> -> memref<1000xi32, #tpu.memory_space<hbm>>
          %dma_wait3A_214 = arith.constant 0 : i32
          %dma_wait3A_215 = tpu.memref_slice %arg16[%dma_wait3A_214] : memref<8008xi32, #tpu.memory_space<vmem>> -> memref<1000xi32, #tpu.memory_space<vmem>>
          %dma_wait3A_216 = tpu.memref_slice %arg2[%mul3A_197] : memref<100000xi32, #tpu.memory_space<hbm>> -> memref<1000xi32, #tpu.memory_space<hbm>>
          tpu.wait_dma2 semaphore(%run_scoped3A : memref<!tpu.dma_semaphore, #tpu.memory_space<semaphore_mem>>) src(%dma_wait3A_216 : memref<1000xi32, #tpu.memory_space<hbm>>) dst(%dma_wait3A_215 : memref<1000xi32, #tpu.memory_space<vmem>>)
          tpu.yield
        }) : () -> ()
        %scan3A = arith.constant 0 : i32
        %scan3A_198 = arith.constant 0 : i32
        %scan3A_199 = arith.constant 63 : i32
        %scan3A_200 = arith.addi %scan3A_198, %scan3A_199 : i32
        %scan3A_201 = arith.constant 7 : i32
        %scan3A_202 = scf.for %scan3A_205 = %scan3A_198 to %scan3A_200 step %scan3A_201 iter_args(%scan3A_206 = %scan3A) -> (i32)  : i32 {
          %mul3A_207 = arith.constant 16 : i32
          %mul3A_208 = arith.muli %scan3A_205, %mul3A_207 : i32
          %get3A_209 = arith.index_cast %mul3A_208 : i32 to index
          %get3A_210 = tpu.vector_load %arg16[%get3A_209] {strides = array<i32>} : memref<8008xi32, #tpu.memory_space<vmem>>, vector<16xi32>,
          %gather3A = tpu.vector_load_idx %arg11[%get3A_210] : memref<112xf32, #tpu.memory_space<vmem>>[vector<16xi32>], vector<16xf32>,
          %mul3A_211 = arith.constant 1000 : i32
          %mul3A_212 = arith.muli %while3A_194, %mul3A_211 : i32
          %mul3A_213 = arith.constant 16 : i32
          %mul3A_214 = arith.muli %scan3A_205, %mul3A_213 : i32
          %add3A_215 = arith.addi %mul3A_212, %mul3A_214 : i32
          %swap3A_216 = arith.index_cast %add3A_215 : i32 to index
          %swap3A_217 = tpu.vector_load %arg15[%swap3A_216] {strides = array<i32>} : memref<100016xf32, #tpu.memory_space<vmem>>, vector<16xf32>,
          tpu.vector_store %arg15[%swap3A_216], %gather3A {strides = array<i32>} : memref<100016xf32, #tpu.memory_space<vmem>>, vector<16xf32>,
          %scan3A_218 = arith.constant 0 : i32
          %scan3A_219 = arith.constant 1 : i32
          %scan3A_220 = arith.addi %scan3A_205, %scan3A_219 : i32
          %mul3A_221 = arith.constant 16 : i32
          %mul3A_222 = arith.muli %scan3A_220, %mul3A_221 : i32
          %get3A_223 = arith.index_cast %mul3A_222 : i32 to index
          %get3A_224 = tpu.vector_load %arg16[%get3A_223] {strides = array<i32>} : memref<8008xi32, #tpu.memory_space<vmem>>, vector<16xi32>,
          %gather3A_225 = tpu.vector_load_idx %arg11[%get3A_224] : memref<112xf32, #tpu.memory_space<vmem>>[vector<16xi32>], vector<16xf32>,
          %mul3A_226 = arith.constant 1000 : i32
          %mul3A_227 = arith.muli %while3A_194, %mul3A_226 : i32
          %mul3A_228 = arith.constant 16 : i32
          %mul3A_229 = arith.muli %scan3A_220, %mul3A_228 : i32
          %add3A_230 = arith.addi %mul3A_227, %mul3A_229 : i32
          %swap3A_231 = arith.index_cast %add3A_230 : i32 to index
          %swap3A_232 = tpu.vector_load %arg15[%swap3A_231] {strides = array<i32>} : memref<100016xf32, #tpu.memory_space<vmem>>, vector<16xf32>,
          tpu.vector_store %arg15[%swap3A_231], %gather3A_225 {strides = array<i32>} : memref<100016xf32, #tpu.memory_space<vmem>>, vector<16xf32>,
          %scan3A_233 = arith.constant 0 : i32
          %scan3A_234 = arith.constant 2 : i32
          %scan3A_235 = arith.addi %scan3A_205, %scan3A_234 : i32
          %mul3A_236 = arith.constant 16 : i32
          %mul3A_237 = arith.muli %scan3A_235, %mul3A_236 : i32
          %get3A_238 = arith.index_cast %mul3A_237 : i32 to index
          %get3A_239 = tpu.vector_load %arg16[%get3A_238] {strides = array<i32>} : memref<8008xi32, #tpu.memory_space<vmem>>, vector<16xi32>,
          %gather3A_240 = tpu.vector_load_idx %arg11[%get3A_239] : memref<112xf32, #tpu.memory_space<vmem>>[vector<16xi32>], vector<16xf32>,
          %mul3A_241 = arith.constant 1000 : i32
          %mul3A_242 = arith.muli %while3A_194, %mul3A_241 : i32
          %mul3A_243 = arith.constant 16 : i32
          %mul3A_244 = arith.muli %scan3A_235, %mul3A_243 : i32
          %add3A_245 = arith.addi %mul3A_242, %mul3A_244 : i32
          %swap3A_246 = arith.index_cast %add3A_245 : i32 to index
          %swap3A_247 = tpu.vector_load %arg15[%swap3A_246] {strides = array<i32>} : memref<100016xf32, #tpu.memory_space<vmem>>, vector<16xf32>,
          tpu.vector_store %arg15[%swap3A_246], %gather3A_240 {strides = array<i32>} : memref<100016xf32, #tpu.memory_space<vmem>>, vector<16xf32>,
          %scan3A_248 = arith.constant 0 : i32
          %scan3A_249 = arith.constant 3 : i32
          %scan3A_250 = arith.addi %scan3A_205, %scan3A_249 : i32
          %mul3A_251 = arith.constant 16 : i32
          %mul3A_252 = arith.muli %scan3A_250, %mul3A_251 : i32
          %get3A_253 = arith.index_cast %mul3A_252 : i32 to index
          %get3A_254 = tpu.vector_load %arg16[%get3A_253] {strides = array<i32>} : memref<8008xi32, #tpu.memory_space<vmem>>, vector<16xi32>,
          %gather3A_255 = tpu.vector_load_idx %arg11[%get3A_254] : memref<112xf32, #tpu.memory_space<vmem>>[vector<16xi32>], vector<16xf32>,
          %mul3A_256 = arith.constant 1000 : i32
          %mul3A_257 = arith.muli %while3A_194, %mul3A_256 : i32
          %mul3A_258 = arith.constant 16 : i32
          %mul3A_259 = arith.muli %scan3A_250, %mul3A_258 : i32
          %add3A_260 = arith.addi %mul3A_257, %mul3A_259 : i32
          %swap3A_261 = arith.index_cast %add3A_260 : i32 to index
          %swap3A_262 = tpu.vector_load %arg15[%swap3A_261] {strides = array<i32>} : memref<100016xf32, #tpu.memory_space<vmem>>, vector<16xf32>,
          tpu.vector_store %arg15[%swap3A_261], %gather3A_255 {strides = array<i32>} : memref<100016xf32, #tpu.memory_space<vmem>>, vector<16xf32>,
          %scan3A_263 = arith.constant 0 : i32
          %scan3A_264 = arith.constant 4 : i32
          %scan3A_265 = arith.addi %scan3A_205, %scan3A_264 : i32
          %mul3A_266 = arith.constant 16 : i32
          %mul3A_267 = arith.muli %scan3A_265, %mul3A_266 : i32
          %get3A_268 = arith.index_cast %mul3A_267 : i32 to index
          %get3A_269 = tpu.vector_load %arg16[%get3A_268] {strides = array<i32>} : memref<8008xi32, #tpu.memory_space<vmem>>, vector<16xi32>,
          %gather3A_270 = tpu.vector_load_idx %arg11[%get3A_269] : memref<112xf32, #tpu.memory_space<vmem>>[vector<16xi32>], vector<16xf32>,
          %mul3A_271 = arith.constant 1000 : i32
          %mul3A_272 = arith.muli %while3A_194, %mul3A_271 : i32
          %mul3A_273 = arith.constant 16 : i32
          %mul3A_274 = arith.muli %scan3A_265, %mul3A_273 : i32
          %add3A_275 = arith.addi %mul3A_272, %mul3A_274 : i32
          %swap3A_276 = arith.index_cast %add3A_275 : i32 to index
          %swap3A_277 = tpu.vector_load %arg15[%swap3A_276] {strides = array<i32>} : memref<100016xf32, #tpu.memory_space<vmem>>, vector<16xf32>,
          tpu.vector_store %arg15[%swap3A_276], %gather3A_270 {strides = array<i32>} : memref<100016xf32, #tpu.memory_space<vmem>>, vector<16xf32>,
          %scan3A_278 = arith.constant 0 : i32
          %scan3A_279 = arith.constant 5 : i32
          %scan3A_280 = arith.addi %scan3A_205, %scan3A_279 : i32
          %mul3A_281 = arith.constant 16 : i32
          %mul3A_282 = arith.muli %scan3A_280, %mul3A_281 : i32
          %get3A_283 = arith.index_cast %mul3A_282 : i32 to index
          %get3A_284 = tpu.vector_load %arg16[%get3A_283] {strides = array<i32>} : memref<8008xi32, #tpu.memory_space<vmem>>, vector<16xi32>,
          %gather3A_285 = tpu.vector_load_idx %arg11[%get3A_284] : memref<112xf32, #tpu.memory_space<vmem>>[vector<16xi32>], vector<16xf32>,
          %mul3A_286 = arith.constant 1000 : i32
          %mul3A_287 = arith.muli %while3A_194, %mul3A_286 : i32
          %mul3A_288 = arith.constant 16 : i32
          %mul3A_289 = arith.muli %scan3A_280, %mul3A_288 : i32
          %add3A_290 = arith.addi %mul3A_287, %mul3A_289 : i32
          %swap3A_291 = arith.index_cast %add3A_290 : i32 to index
          %swap3A_292 = tpu.vector_load %arg15[%swap3A_291] {strides = array<i32>} : memref<100016xf32, #tpu.memory_space<vmem>>, vector<16xf32>,
          tpu.vector_store %arg15[%swap3A_291], %gather3A_285 {strides = array<i32>} : memref<100016xf32, #tpu.memory_space<vmem>>, vector<16xf32>,
          %scan3A_293 = arith.constant 0 : i32
          %scan3A_294 = arith.constant 6 : i32
          %scan3A_295 = arith.addi %scan3A_205, %scan3A_294 : i32
          %mul3A_296 = arith.constant 16 : i32
          %mul3A_297 = arith.muli %scan3A_295, %mul3A_296 : i32
          %get3A_298 = arith.index_cast %mul3A_297 : i32 to index
          %get3A_299 = tpu.vector_load %arg16[%get3A_298] {strides = array<i32>} : memref<8008xi32, #tpu.memory_space<vmem>>, vector<16xi32>,
          %gather3A_300 = tpu.vector_load_idx %arg11[%get3A_299] : memref<112xf32, #tpu.memory_space<vmem>>[vector<16xi32>], vector<16xf32>,
          %mul3A_301 = arith.constant 1000 : i32
          %mul3A_302 = arith.muli %while3A_194, %mul3A_301 : i32
          %mul3A_303 = arith.constant 16 : i32
          %mul3A_304 = arith.muli %scan3A_295, %mul3A_303 : i32
          %add3A_305 = arith.addi %mul3A_302, %mul3A_304 : i32
          %swap3A_306 = arith.index_cast %add3A_305 : i32 to index
          %swap3A_307 = tpu.vector_load %arg15[%swap3A_306] {strides = array<i32>} : memref<100016xf32, #tpu.memory_space<vmem>>, vector<16xf32>,
          tpu.vector_store %arg15[%swap3A_306], %gather3A_300 {strides = array<i32>} : memref<100016xf32, #tpu.memory_space<vmem>>, vector<16xf32>,
          %scan3A_308 = arith.constant 0 : i32
          scf.yield %scan3A_308 : i32
        }
        %scan3A_203 = arith.constant 63 : i32
        %while3A_204 = arith.constant 0 : i32
        scf.yield %while3A_204 : i32
      }
      %while3A_188 = arith.constant 1 : i32
      %while3A_189 = scf.for %while3A_194 = %while3A_185 to %while3A_181 step %while3A_188 iter_args(%while3A_195 = %while3A_187) -> (i32)  : i32 {
        %mul3A_196 = arith.constant 1000 : i32
        %mul3A_197 = arith.muli %while3A_194, %mul3A_196 : i32
        "tpu.region"() ({
          %run_scoped3A = tpu.sem_alloc : memref<!tpu.dma_semaphore, #tpu.memory_space<semaphore_mem>>
          %dma_start3A_205 = arith.constant 0 : i32
          %dma_start3A_206 = tpu.memref_slice %arg16[%dma_start3A_205] : memref<8008xi32, #tpu.memory_space<vmem>> -> memref<1000xi32, #tpu.memory_space<vmem>>
          %dma_start3A_207 = tpu.memref_slice %arg2[%mul3A_197] : memref<100000xi32, #tpu.memory_space<hbm>> -> memref<1000xi32, #tpu.memory_space<hbm>>
          %dma_start3A_208 = arith.constant 0 : i32
          %dma_start3A_209 = tpu.memref_slice %arg16[%dma_start3A_208] : memref<8008xi32, #tpu.memory_space<vmem>> -> memref<1000xi32, #tpu.memory_space<vmem>>
          %dma_start3A_210 = tpu.memref_slice %arg2[%mul3A_197] : memref<100000xi32, #tpu.memory_space<hbm>> -> memref<1000xi32, #tpu.memory_space<hbm>>
          tpu.enqueue_dma source(%dma_start3A_210 : memref<1000xi32, #tpu.memory_space<hbm>>) target(%dma_start3A_209 : memref<1000xi32, #tpu.memory_space<vmem>>) target_semaphore(%run_scoped3A : memref<!tpu.dma_semaphore, #tpu.memory_space<semaphore_mem>>)
          %dma_wait3A_211 = arith.constant 0 : i32
          %dma_wait3A_212 = tpu.memref_slice %arg16[%dma_wait3A_211] : memref<8008xi32, #tpu.memory_space<vmem>> -> memref<1000xi32, #tpu.memory_space<vmem>>
          %dma_wait3A_213 = tpu.memref_slice %arg2[%mul3A_197] : memref<100000xi32, #tpu.memory_space<hbm>> -> memref<1000xi32, #tpu.memory_space<hbm>>
          %dma_wait3A_214 = arith.constant 0 : i32
          %dma_wait3A_215 = tpu.memref_slice %arg16[%dma_wait3A_214] : memref<8008xi32, #tpu.memory_space<vmem>> -> memref<1000xi32, #tpu.memory_space<vmem>>
          %dma_wait3A_216 = tpu.memref_slice %arg2[%mul3A_197] : memref<100000xi32, #tpu.memory_space<hbm>> -> memref<1000xi32, #tpu.memory_space<hbm>>
          tpu.wait_dma2 semaphore(%run_scoped3A : memref<!tpu.dma_semaphore, #tpu.memory_space<semaphore_mem>>) src(%dma_wait3A_216 : memref<1000xi32, #tpu.memory_space<hbm>>) dst(%dma_wait3A_215 : memref<1000xi32, #tpu.memory_space<vmem>>)
          tpu.yield
        }) : () -> ()
        %scan3A = arith.constant 0 : i32
        %scan3A_198 = arith.constant 0 : i32
        %scan3A_199 = arith.constant 63 : i32
        %scan3A_200 = arith.addi %scan3A_198, %scan3A_199 : i32
        %scan3A_201 = arith.constant 7 : i32
        %scan3A_202 = scf.for %scan3A_205 = %scan3A_198 to %scan3A_200 step %scan3A_201 iter_args(%scan3A_206 = %scan3A) -> (i32)  : i32 {
          %mul3A_207 = arith.constant 16 : i32
          %mul3A_208 = arith.muli %scan3A_205, %mul3A_207 : i32
          %get3A_209 = arith.index_cast %mul3A_208 : i32 to index
          %get3A_210 = tpu.vector_load %arg16[%get3A_209] {strides = array<i32>} : memref<8008xi32, #tpu.memory_space<vmem>>, vector<16xi32>,
          %gather3A = tpu.vector_load_idx %arg11[%get3A_210] : memref<112xf32, #tpu.memory_space<vmem>>[vector<16xi32>], vector<16xf32>,
          %mul3A_211 = arith.constant 1000 : i32
          %mul3A_212 = arith.muli %while3A_194, %mul3A_211 : i32
          %mul3A_213 = arith.constant 16 : i32
          %mul3A_214 = arith.muli %scan3A_205, %mul3A_213 : i32
          %add3A_215 = arith.addi %mul3A_212, %mul3A_214 : i32
          %swap3A_216 = arith.index_cast %add3A_215 : i32 to index
          %swap3A_217 = tpu.vector_load %arg15[%swap3A_216] {strides = array<i32>} : memref<100016xf32, #tpu.memory_space<vmem>>, vector<16xf32>,
          tpu.vector_store %arg15[%swap3A_216], %gather3A {strides = array<i32>} : memref<100016xf32, #tpu.memory_space<vmem>>, vector<16xf32>,
          %scan3A_218 = arith.constant 0 : i32
          %scan3A_219 = arith.constant 1 : i32
          %scan3A_220 = arith.addi %scan3A_205, %scan3A_219 : i32
          %mul3A_221 = arith.constant 16 : i32
          %mul3A_222 = arith.muli %scan3A_220, %mul3A_221 : i32
          %get3A_223 = arith.index_cast %mul3A_222 : i32 to index
          %get3A_224 = tpu.vector_load %arg16[%get3A_223] {strides = array<i32>} : memref<8008xi32, #tpu.memory_space<vmem>>, vector<16xi32>,
          %gather3A_225 = tpu.vector_load_idx %arg11[%get3A_224] : memref<112xf32, #tpu.memory_space<vmem>>[vector<16xi32>], vector<16xf32>,
          %mul3A_226 = arith.constant 1000 : i32
          %mul3A_227 = arith.muli %while3A_194, %mul3A_226 : i32
          %mul3A_228 = arith.constant 16 : i32
          %mul3A_229 = arith.muli %scan3A_220, %mul3A_228 : i32
          %add3A_230 = arith.addi %mul3A_227, %mul3A_229 : i32
          %swap3A_231 = arith.index_cast %add3A_230 : i32 to index
          %swap3A_232 = tpu.vector_load %arg15[%swap3A_231] {strides = array<i32>} : memref<100016xf32, #tpu.memory_space<vmem>>, vector<16xf32>,
          tpu.vector_store %arg15[%swap3A_231], %gather3A_225 {strides = array<i32>} : memref<100016xf32, #tpu.memory_space<vmem>>, vector<16xf32>,
          %scan3A_233 = arith.constant 0 : i32
          %scan3A_234 = arith.constant 2 : i32
          %scan3A_235 = arith.addi %scan3A_205, %scan3A_234 : i32
          %mul3A_236 = arith.constant 16 : i32
          %mul3A_237 = arith.muli %scan3A_235, %mul3A_236 : i32
          %get3A_238 = arith.index_cast %mul3A_237 : i32 to index
          %get3A_239 = tpu.vector_load %arg16[%get3A_238] {strides = array<i32>} : memref<8008xi32, #tpu.memory_space<vmem>>, vector<16xi32>,
          %gather3A_240 = tpu.vector_load_idx %arg11[%get3A_239] : memref<112xf32, #tpu.memory_space<vmem>>[vector<16xi32>], vector<16xf32>,
          %mul3A_241 = arith.constant 1000 : i32
          %mul3A_242 = arith.muli %while3A_194, %mul3A_241 : i32
          %mul3A_243 = arith.constant 16 : i32
          %mul3A_244 = arith.muli %scan3A_235, %mul3A_243 : i32
          %add3A_245 = arith.addi %mul3A_242, %mul3A_244 : i32
          %swap3A_246 = arith.index_cast %add3A_245 : i32 to index
          %swap3A_247 = tpu.vector_load %arg15[%swap3A_246] {strides = array<i32>} : memref<100016xf32, #tpu.memory_space<vmem>>, vector<16xf32>,
          tpu.vector_store %arg15[%swap3A_246], %gather3A_240 {strides = array<i32>} : memref<100016xf32, #tpu.memory_space<vmem>>, vector<16xf32>,
          %scan3A_248 = arith.constant 0 : i32
          %scan3A_249 = arith.constant 3 : i32
          %scan3A_250 = arith.addi %scan3A_205, %scan3A_249 : i32
          %mul3A_251 = arith.constant 16 : i32
          %mul3A_252 = arith.muli %scan3A_250, %mul3A_251 : i32
          %get3A_253 = arith.index_cast %mul3A_252 : i32 to index
          %get3A_254 = tpu.vector_load %arg16[%get3A_253] {strides = array<i32>} : memref<8008xi32, #tpu.memory_space<vmem>>, vector<16xi32>,
          %gather3A_255 = tpu.vector_load_idx %arg11[%get3A_254] : memref<112xf32, #tpu.memory_space<vmem>>[vector<16xi32>], vector<16xf32>,
          %mul3A_256 = arith.constant 1000 : i32
          %mul3A_257 = arith.muli %while3A_194, %mul3A_256 : i32
          %mul3A_258 = arith.constant 16 : i32
          %mul3A_259 = arith.muli %scan3A_250, %mul3A_258 : i32
          %add3A_260 = arith.addi %mul3A_257, %mul3A_259 : i32
          %swap3A_261 = arith.index_cast %add3A_260 : i32 to index
          %swap3A_262 = tpu.vector_load %arg15[%swap3A_261] {strides = array<i32>} : memref<100016xf32, #tpu.memory_space<vmem>>, vector<16xf32>,
          tpu.vector_store %arg15[%swap3A_261], %gather3A_255 {strides = array<i32>} : memref<100016xf32, #tpu.memory_space<vmem>>, vector<16xf32>,
          %scan3A_263 = arith.constant 0 : i32
          %scan3A_264 = arith.constant 4 : i32
          %scan3A_265 = arith.addi %scan3A_205, %scan3A_264 : i32
          %mul3A_266 = arith.constant 16 : i32
          %mul3A_267 = arith.muli %scan3A_265, %mul3A_266 : i32
          %get3A_268 = arith.index_cast %mul3A_267 : i32 to index
          %get3A_269 = tpu.vector_load %arg16[%get3A_268] {strides = array<i32>} : memref<8008xi32, #tpu.memory_space<vmem>>, vector<16xi32>,
          %gather3A_270 = tpu.vector_load_idx %arg11[%get3A_269] : memref<112xf32, #tpu.memory_space<vmem>>[vector<16xi32>], vector<16xf32>,
          %mul3A_271 = arith.constant 1000 : i32
          %mul3A_272 = arith.muli %while3A_194, %mul3A_271 : i32
          %mul3A_273 = arith.constant 16 : i32
          %mul3A_274 = arith.muli %scan3A_265, %mul3A_273 : i32
          %add3A_275 = arith.addi %mul3A_272, %mul3A_274 : i32
          %swap3A_276 = arith.index_cast %add3A_275 : i32 to index
          %swap3A_277 = tpu.vector_load %arg15[%swap3A_276] {strides = array<i32>} : memref<100016xf32, #tpu.memory_space<vmem>>, vector<16xf32>,
          tpu.vector_store %arg15[%swap3A_276], %gather3A_270 {strides = array<i32>} : memref<100016xf32, #tpu.memory_space<vmem>>, vector<16xf32>,
          %scan3A_278 = arith.constant 0 : i32
          %scan3A_279 = arith.constant 5 : i32
          %scan3A_280 = arith.addi %scan3A_205, %scan3A_279 : i32
          %mul3A_281 = arith.constant 16 : i32
          %mul3A_282 = arith.muli %scan3A_280, %mul3A_281 : i32
          %get3A_283 = arith.index_cast %mul3A_282 : i32 to index
          %get3A_284 = tpu.vector_load %arg16[%get3A_283] {strides = array<i32>} : memref<8008xi32, #tpu.memory_space<vmem>>, vector<16xi32>,
          %gather3A_285 = tpu.vector_load_idx %arg11[%get3A_284] : memref<112xf32, #tpu.memory_space<vmem>>[vector<16xi32>], vector<16xf32>,
          %mul3A_286 = arith.constant 1000 : i32
          %mul3A_287 = arith.muli %while3A_194, %mul3A_286 : i32
          %mul3A_288 = arith.constant 16 : i32
          %mul3A_289 = arith.muli %scan3A_280, %mul3A_288 : i32
          %add3A_290 = arith.addi %mul3A_287, %mul3A_289 : i32
          %swap3A_291 = arith.index_cast %add3A_290 : i32 to index
          %swap3A_292 = tpu.vector_load %arg15[%swap3A_291] {strides = array<i32>} : memref<100016xf32, #tpu.memory_space<vmem>>, vector<16xf32>,
          tpu.vector_store %arg15[%swap3A_291], %gather3A_285 {strides = array<i32>} : memref<100016xf32, #tpu.memory_space<vmem>>, vector<16xf32>,
          %scan3A_293 = arith.constant 0 : i32
          %scan3A_294 = arith.constant 6 : i32
          %scan3A_295 = arith.addi %scan3A_205, %scan3A_294 : i32
          %mul3A_296 = arith.constant 16 : i32
          %mul3A_297 = arith.muli %scan3A_295, %mul3A_296 : i32
          %get3A_298 = arith.index_cast %mul3A_297 : i32 to index
          %get3A_299 = tpu.vector_load %arg16[%get3A_298] {strides = array<i32>} : memref<8008xi32, #tpu.memory_space<vmem>>, vector<16xi32>,
          %gather3A_300 = tpu.vector_load_idx %arg11[%get3A_299] : memref<112xf32, #tpu.memory_space<vmem>>[vector<16xi32>], vector<16xf32>,
          %mul3A_301 = arith.constant 1000 : i32
          %mul3A_302 = arith.muli %while3A_194, %mul3A_301 : i32
          %mul3A_303 = arith.constant 16 : i32
          %mul3A_304 = arith.muli %scan3A_295, %mul3A_303 : i32
          %add3A_305 = arith.addi %mul3A_302, %mul3A_304 : i32
          %swap3A_306 = arith.index_cast %add3A_305 : i32 to index
          %swap3A_307 = tpu.vector_load %arg15[%swap3A_306] {strides = array<i32>} : memref<100016xf32, #tpu.memory_space<vmem>>, vector<16xf32>,
          tpu.vector_store %arg15[%swap3A_306], %gather3A_300 {strides = array<i32>} : memref<100016xf32, #tpu.memory_space<vmem>>, vector<16xf32>,
          %scan3A_308 = arith.constant 0 : i32
          scf.yield %scan3A_308 : i32
        }
        %scan3A_203 = arith.constant 63 : i32
        %while3A_204 = arith.constant 0 : i32
        scf.yield %while3A_204 : i32
      }
      %while3A_190 = arith.constant 0 : i32
      %while3A_191 = arith.constant false
      %while3A_192:2 = scf.while (%while3A_194 = %while3A_190, %while3A_195 = %while3A_191) : (i32, i1) -> (i32, i1) {
        %lt3A = arith.constant 100 : i32
        %lt3A_196 = arith.cmpi slt, %while3A_194, %lt3A : i32
        %not3A = arith.constant true
        %not3A_197 = arith.xori %while3A_195, %not3A : i1
        %and3A_198 = arith.andi %lt3A_196, %not3A_197 : i1
        scf.condition(%and3A_198) %while3A_194, %while3A_195 : i32, i1
      } do {
      ^bb0(%while3A_194: i32, %while3A_195: i1):
        %mul3A_196 = arith.constant 200000 : i32
        %mul3A_197 = arith.muli %add3A, %mul3A_196 : i32
        %mul3A_198 = arith.constant 2000 : i32
        %mul3A_199 = arith.muli %while3A_194, %mul3A_198 : i32
        %add3A_200 = arith.addi %mul3A_197, %mul3A_199 : i32
        %multiple_of3A_201 = tpu.assume_multiple %add3A_200, 8 : i32
        %dma_start3A_202 = tpu.memref_slice %arg4[%multiple_of3A_201] : memref<6400000xi32, #tpu.memory_space<hbm>> -> memref<2000xi32, #tpu.memory_space<hbm>>
        %dma_start3A_203 = tpu.memref_slice %arg4[%multiple_of3A_201] : memref<6400000xi32, #tpu.memory_space<hbm>> -> memref<2000xi32, #tpu.memory_space<hbm>>
        tpu.enqueue_dma source(%dma_start3A_203 : memref<2000xi32, #tpu.memory_space<hbm>>) target(%arg18 : memref<2000xi32, #tpu.memory_space<vmem>>) target_semaphore(%arg22 : memref<!tpu.dma_semaphore, #tpu.memory_space<semaphore_mem>>)
        %dma_wait3A_204 = tpu.memref_slice %arg4[%multiple_of3A_201] : memref<6400000xi32, #tpu.memory_space<hbm>> -> memref<2000xi32, #tpu.memory_space<hbm>>
        %dma_wait3A_205 = tpu.memref_slice %arg4[%multiple_of3A_201] : memref<6400000xi32, #tpu.memory_space<hbm>> -> memref<2000xi32, #tpu.memory_space<hbm>>
        tpu.wait_dma2 semaphore(%arg22 : memref<!tpu.dma_semaphore, #tpu.memory_space<semaphore_mem>>) src(%dma_wait3A_205 : memref<2000xi32, #tpu.memory_space<hbm>>) dst(%arg18 : memref<2000xi32, #tpu.memory_space<vmem>>)
        %get3A_206 = arith.constant 0 : index
        %get3A_207 = tpu.vector_load %arg18[%get3A_206] {strides = array<i32>} : memref<2000xi32, #tpu.memory_space<vmem>>, vector<16xi32>,
        %reduce_min3A_208 = arith.constant true
        %reduce_min3A_209 = vector.broadcast %reduce_min3A_208 : i1 to vector<16xi1>
        %reduce_min3A_210 = arith.constant -2147483648 : i32
        %reduce_min3A_211 = vector.broadcast %reduce_min3A_210 : i32 to vector<16xi32>
        %reduce_min3A_212 = arith.xori %get3A_207, %reduce_min3A_211 : vector<16xi32>
        %reduce_min3A_213 = tpu.scan <min>, %reduce_min3A_212 masked %reduce_min3A_209 : vector<16xi32>, vector<16xi1> -> vector<16xi32>
        %reduce_min3A_214 = arith.xori %reduce_min3A_213, %reduce_min3A_211 : vector<16xi32>
        %reduce_min3A_215 = vector.extract %reduce_min3A_214[15] : i32 from vector<16xi32>
        %get3A_216 = arith.constant 1984 : index
        %get3A_217 = tpu.vector_load %arg18[%get3A_216] {strides = array<i32>} : memref<2000xi32, #tpu.memory_space<vmem>>, vector<16xi32>,
        %reduce_max3A_218 = arith.constant true
        %reduce_max3A_219 = vector.broadcast %reduce_max3A_218 : i1 to vector<16xi1>
        %reduce_max3A_220 = arith.constant -2147483648 : i32
        %reduce_max3A_221 = vector.broadcast %reduce_max3A_220 : i32 to vector<16xi32>
        %reduce_max3A_222 = arith.xori %get3A_217, %reduce_max3A_221 : vector<16xi32>
        %reduce_max3A_223 = tpu.scan <max>, %reduce_max3A_222 masked %reduce_max3A_219 : vector<16xi32>, vector<16xi1> -> vector<16xi32>
        %reduce_max3A_224 = arith.xori %reduce_max3A_223, %reduce_max3A_221 : vector<16xi32>
        %reduce_max3A_225 = vector.extract %reduce_max3A_224[15] : i32 from vector<16xi32>
        %sub3A_226 = arith.subi %reduce_max3A_225, %reduce_min3A_215 : i32
        %jit3A_227 = arith.constant 16 : i32
        %div3A_228 = arith.divsi %sub3A_226, %jit3A_227 : i32
        %sign3A_229 = arith.constant 0 : i32
        %sign3A_230 = arith.cmpi sgt, %sub3A_226, %sign3A_229 : i32
        %sign3A_231 = arith.extui %sign3A_230 : i1 to i32
        %sign3A_232 = arith.constant 0 : i32
        %sign3A_233 = arith.cmpi slt, %sub3A_226, %sign3A_232 : i32
        %sign3A_234 = arith.extui %sign3A_233 : i1 to i32
        %sign3A_235 = arith.subi %sign3A_231, %sign3A_234 : i32
        %sign3A_236 = arith.constant 0 : i32
        %sign3A_237 = arith.cmpi sgt, %jit3A_227, %sign3A_236 : i32
        %sign3A_238 = arith.extui %sign3A_237 : i1 to i32
        %sign3A_239 = arith.constant 0 : i32
        %sign3A_240 = arith.cmpi slt, %jit3A_227, %sign3A_239 : i32
        %sign3A_241 = arith.extui %sign3A_240 : i1 to i32
        %sign3A_242 = arith.subi %sign3A_238, %sign3A_241 : i32
        %ne3A_243 = arith.cmpi ne, %sign3A_235, %sign3A_242 : i32
        %rem3A_244 = arith.remsi %sub3A_226, %jit3A_227 : i32
        %ne3A_245 = arith.constant 0 : i32
        %ne3A_246 = arith.cmpi ne, %rem3A_244, %ne3A_245 : i32
        %and3A_247 = arith.andi %ne3A_243, %ne3A_246 : i1
        %sub3A_248 = arith.constant 1 : i32
        %sub3A_249 = arith.subi %div3A_228, %sub3A_248 : i32
        %select_n3A_250 = arith.select %and3A_247, %sub3A_249, %div3A_228 : i32
        %add3A_251 = arith.constant 1 : i32
        %add3A_252 = arith.addi %select_n3A_250, %add3A_251 : i32
        %broadcast_in_dim3A_253 = vector.broadcast %reduce_max3A_225 : i32 to vector<16xi32>
        %while3A_254 = arith.constant 0 : i32
        %while3A_255 = arith.constant 1.000000e+00 : f32
        %while3A_256 = arith.subi %add3A_252, %while3A_254 : i32
        %while3A_257 = arith.addi %while3A_254, %while3A_256 : i32
        %while3A_258 = arith.constant 1 : i32
        %while3A_259 = arith.divsi %while3A_256, %while3A_258 : i32
        %while3A_260 = arith.muli %while3A_259, %while3A_258 : i32
        %while3A_261 = arith.addi %while3A_254, %while3A_260 : i32
        %while3A_262 = arith.constant 1 : i32
        %while3A_263 = scf.for %while3A_275 = %while3A_254 to %while3A_261 step %while3A_262 iter_args(%while3A_276 = %while3A_255) -> (f32)  : i32 {
          %mul3A_277 = arith.constant 16 : i32
          %mul3A_278 = arith.muli %while3A_275, %mul3A_277 : i32
          %add3A_279 = arith.addi %reduce_min3A_215, %mul3A_278 : i32
          %add3A_280 = vector.broadcast %add3A_279 : i32 to vector<16xi32>
          %add3A_281 = arith.addi %add3A_280, %iota3A : vector<16xi32>
          %min3A_282 = arith.minsi %add3A_281, %broadcast_in_dim3A_253 : vector<16xi32>
          %gather3A = tpu.vector_load_idx %arg14[%min3A_282] : memref<112xf32, #tpu.memory_space<vmem>>[vector<16xi32>], vector<16xf32>,
          %reduce_min3A_283 = arith.constant true
          %reduce_min3A_284 = vector.broadcast %reduce_min3A_283 : i1 to vector<16xi1>
          %reduce_min3A_285 = tpu.scan <min>, %gather3A masked %reduce_min3A_284 : vector<16xf32>, vector<16xi1> -> vector<16xf32>
          %reduce_min3A_286 = vector.extract %reduce_min3A_285[15] : f32 from vector<16xf32>
          %min3A_287 = arith.minimumf %while3A_276, %reduce_min3A_286 : f32
          scf.yield %min3A_287 : f32
        }
        %while3A_264 = arith.constant 1 : i32
        %while3A_265 = scf.for %while3A_275 = %while3A_261 to %while3A_257 step %while3A_264 iter_args(%while3A_276 = %while3A_263) -> (f32)  : i32 {
          %mul3A_277 = arith.constant 16 : i32
          %mul3A_278 = arith.muli %while3A_275, %mul3A_277 : i32
          %add3A_279 = arith.addi %reduce_min3A_215, %mul3A_278 : i32
          %add3A_280 = vector.broadcast %add3A_279 : i32 to vector<16xi32>
          %add3A_281 = arith.addi %add3A_280, %iota3A : vector<16xi32>
          %min3A_282 = arith.minsi %add3A_281, %broadcast_in_dim3A_253 : vector<16xi32>
          %gather3A = tpu.vector_load_idx %arg14[%min3A_282] : memref<112xf32, #tpu.memory_space<vmem>>[vector<16xi32>], vector<16xf32>,
          %reduce_min3A_283 = arith.constant true
          %reduce_min3A_284 = vector.broadcast %reduce_min3A_283 : i1 to vector<16xi1>
          %reduce_min3A_285 = tpu.scan <min>, %gather3A masked %reduce_min3A_284 : vector<16xf32>, vector<16xi1> -> vector<16xf32>
          %reduce_min3A_286 = vector.extract %reduce_min3A_285[15] : f32 from vector<16xf32>
          %min3A_287 = arith.minimumf %while3A_276, %reduce_min3A_286 : f32
          scf.yield %min3A_287 : f32
        }
        %gt3A_266 = arith.constant 0.000000e+00 : f32
        %gt3A_267 = arith.cmpf ogt, %while3A_265, %gt3A_266 : f32
        %convert_element_type3A_268 = arith.extui %gt3A_267 : i1 to i32
        %cond3A_269 = arith.constant 0 : i32
        %cond3A_270 = arith.constant 0 : i32
        %cond3A_271 = arith.cmpi ne, %convert_element_type3A_268, %cond3A_270 : i32
        %cond3A_272 = scf.if %cond3A_271 -> (i1) {
          scf.yield %while3A_195 : i1
        } else {
          %dma_start3A_275 = tpu.memref_slice %arg5[%multiple_of3A_201] : memref<6400000xi32, #tpu.memory_space<hbm>> -> memref<2000xi32, #tpu.memory_space<hbm>>
          %dma_start3A_276 = tpu.memref_slice %arg5[%multiple_of3A_201] : memref<6400000xi32, #tpu.memory_space<hbm>> -> memref<2000xi32, #tpu.memory_space<hbm>>
          tpu.enqueue_dma source(%dma_start3A_276 : memref<2000xi32, #tpu.memory_space<hbm>>) target(%arg19 : memref<2000xi32, #tpu.memory_space<vmem>>) target_semaphore(%arg22 : memref<!tpu.dma_semaphore, #tpu.memory_space<semaphore_mem>>)
          %dma_start3A_277 = tpu.memref_slice %arg6[%multiple_of3A_201] : memref<6400000xi32, #tpu.memory_space<hbm>> -> memref<2000xi32, #tpu.memory_space<hbm>>
          %dma_start3A_278 = tpu.memref_slice %arg6[%multiple_of3A_201] : memref<6400000xi32, #tpu.memory_space<hbm>> -> memref<2000xi32, #tpu.memory_space<hbm>>
          tpu.enqueue_dma source(%dma_start3A_278 : memref<2000xi32, #tpu.memory_space<hbm>>) target(%arg20 : memref<2000xi32, #tpu.memory_space<vmem>>) target_semaphore(%arg22 : memref<!tpu.dma_semaphore, #tpu.memory_space<semaphore_mem>>)
          %dma_start3A_279 = tpu.memref_slice %arg7[%multiple_of3A_201] : memref<6400000xf32, #tpu.memory_space<hbm>> -> memref<2000xf32, #tpu.memory_space<hbm>>
          %dma_start3A_280 = tpu.memref_slice %arg7[%multiple_of3A_201] : memref<6400000xf32, #tpu.memory_space<hbm>> -> memref<2000xf32, #tpu.memory_space<hbm>>
          tpu.enqueue_dma source(%dma_start3A_280 : memref<2000xf32, #tpu.memory_space<hbm>>) target(%arg21 : memref<2000xf32, #tpu.memory_space<vmem>>) target_semaphore(%arg22 : memref<!tpu.dma_semaphore, #tpu.memory_space<semaphore_mem>>)
          %dma_wait3A_281 = tpu.memref_slice %arg5[%multiple_of3A_201] : memref<6400000xi32, #tpu.memory_space<hbm>> -> memref<2000xi32, #tpu.memory_space<hbm>>
          %dma_wait3A_282 = tpu.memref_slice %arg5[%multiple_of3A_201] : memref<6400000xi32, #tpu.memory_space<hbm>> -> memref<2000xi32, #tpu.memory_space<hbm>>
          tpu.wait_dma2 semaphore(%arg22 : memref<!tpu.dma_semaphore, #tpu.memory_space<semaphore_mem>>) src(%dma_wait3A_282 : memref<2000xi32, #tpu.memory_space<hbm>>) dst(%arg19 : memref<2000xi32, #tpu.memory_space<vmem>>)
          %dma_wait3A_283 = tpu.memref_slice %arg6[%multiple_of3A_201] : memref<6400000xi32, #tpu.memory_space<hbm>> -> memref<2000xi32, #tpu.memory_space<hbm>>
          %dma_wait3A_284 = tpu.memref_slice %arg6[%multiple_of3A_201] : memref<6400000xi32, #tpu.memory_space<hbm>> -> memref<2000xi32, #tpu.memory_space<hbm>>
          tpu.wait_dma2 semaphore(%arg22 : memref<!tpu.dma_semaphore, #tpu.memory_space<semaphore_mem>>) src(%dma_wait3A_284 : memref<2000xi32, #tpu.memory_space<hbm>>) dst(%arg20 : memref<2000xi32, #tpu.memory_space<vmem>>)
          %dma_wait3A_285 = tpu.memref_slice %arg7[%multiple_of3A_201] : memref<6400000xf32, #tpu.memory_space<hbm>> -> memref<2000xf32, #tpu.memory_space<hbm>>
          %dma_wait3A_286 = tpu.memref_slice %arg7[%multiple_of3A_201] : memref<6400000xf32, #tpu.memory_space<hbm>> -> memref<2000xf32, #tpu.memory_space<hbm>>
          tpu.wait_dma2 semaphore(%arg22 : memref<!tpu.dma_semaphore, #tpu.memory_space<semaphore_mem>>) src(%dma_wait3A_286 : memref<2000xf32, #tpu.memory_space<hbm>>) dst(%arg21 : memref<2000xf32, #tpu.memory_space<vmem>>)
          %scan3A = arith.constant 0 : i32
          %scan3A_287 = arith.constant 0 : i32
          %scan3A_288 = arith.constant 125 : i32
          %scan3A_289 = arith.addi %scan3A_287, %scan3A_288 : i32
          %scan3A_290 = arith.constant 1 : i32
          %scan3A_291 = scf.for %scan3A_335 = %scan3A_287 to %scan3A_289 step %scan3A_290 iter_args(%scan3A_336 = %scan3A) -> (i32)  : i32 {
            %mul3A_337 = arith.constant 16 : i32
            %mul3A_338 = arith.muli %scan3A_335, %mul3A_337 : i32
            %get3A_339 = arith.index_cast %mul3A_338 : i32 to index
            %get3A_340 = tpu.vector_load %arg18[%get3A_339] {strides = array<i32>} : memref<2000xi32, #tpu.memory_space<vmem>>, vector<16xi32>,
            %mul3A_341 = arith.constant 16 : i32
            %mul3A_342 = arith.muli %scan3A_335, %mul3A_341 : i32
            %get3A_343 = arith.index_cast %mul3A_342 : i32 to index
            %get3A_344 = tpu.vector_load %arg19[%get3A_343] {strides = array<i32>} : memref<2000xi32, #tpu.memory_space<vmem>>, vector<16xi32>,
            %mul3A_345 = arith.constant 16 : i32
            %mul3A_346 = arith.muli %scan3A_335, %mul3A_345 : i32
            %get3A_347 = arith.index_cast %mul3A_346 : i32 to index
            %get3A_348 = tpu.vector_load %arg20[%get3A_347] {strides = array<i32>} : memref<2000xi32, #tpu.memory_space<vmem>>, vector<16xi32>,
            %mul3A_349 = arith.constant 16 : i32
            %mul3A_350 = arith.muli %scan3A_335, %mul3A_349 : i32
            %get3A_351 = arith.index_cast %mul3A_350 : i32 to index
            %get3A_352 = tpu.vector_load %arg21[%get3A_351] {strides = array<i32>} : memref<2000xf32, #tpu.memory_space<vmem>>, vector<16xf32>,
            %mul3A_353 = arith.constant 1000 : i32
            %mul3A_354 = vector.broadcast %mul3A_353 : i32 to vector<16xi32>
            %mul3A_355 = arith.muli %get3A_340, %mul3A_354 : vector<16xi32>
            %add3A_356 = arith.addi %mul3A_355, %get3A_344 : vector<16xi32>
            %gather3A = tpu.vector_load_idx %arg15[%add3A_356] : memref<100016xf32, #tpu.memory_space<vmem>>[vector<16xi32>], vector<16xf32>,
            %mul3A_357 = arith.constant 1000 : i32
            %mul3A_358 = vector.broadcast %mul3A_357 : i32 to vector<16xi32>
            %mul3A_359 = arith.muli %get3A_340, %mul3A_358 : vector<16xi32>
            %add3A_360 = arith.addi %mul3A_359, %get3A_348 : vector<16xi32>
            %gather3A_361 = tpu.vector_load_idx %arg15[%add3A_360] : memref<100016xf32, #tpu.memory_space<vmem>>[vector<16xi32>], vector<16xf32>,
            %add3A_362 = arith.addf %gather3A, %gather3A_361 : vector<16xf32>
            %mul3A_363 = arith.mulf %add3A_362, %add3A_362 : vector<16xf32>
            %ge3A = arith.cmpf oge, %mul3A_363, %get3A_352 : vector<16xf32>
            tpu.vector_store_idx %arg14[%get3A_340], %broadcast_in_dim3A_5 masked %ge3A : memref<112xf32, #tpu.memory_space<vmem>>[vector<16xi32>], vector<16xf32>, vector<16xi1>
            %scan3A_364 = arith.constant 0 : i32
            scf.yield %scan3A_364 : i32
          }
          %scan3A_292 = arith.constant 125 : i32
          %sub3A_293 = arith.subi %reduce_max3A_110, %reduce_min3A_101 : i32
          %jit3A_294 = arith.constant 16 : i32
          %div3A_295 = arith.divsi %sub3A_293, %jit3A_294 : i32
          %sign3A_296 = arith.constant 0 : i32
          %sign3A_297 = arith.cmpi sgt, %sub3A_293, %sign3A_296 : i32
          %sign3A_298 = arith.extui %sign3A_297 : i1 to i32
          %sign3A_299 = arith.constant 0 : i32
          %sign3A_300 = arith.cmpi slt, %sub3A_293, %sign3A_299 : i32
          %sign3A_301 = arith.extui %sign3A_300 : i1 to i32
          %sign3A_302 = arith.subi %sign3A_298, %sign3A_301 : i32
          %sign3A_303 = arith.constant 0 : i32
          %sign3A_304 = arith.cmpi sgt, %jit3A_294, %sign3A_303 : i32
          %sign3A_305 = arith.extui %sign3A_304 : i1 to i32
          %sign3A_306 = arith.constant 0 : i32
          %sign3A_307 = arith.cmpi slt, %jit3A_294, %sign3A_306 : i32
          %sign3A_308 = arith.extui %sign3A_307 : i1 to i32
          %sign3A_309 = arith.subi %sign3A_305, %sign3A_308 : i32
          %ne3A_310 = arith.cmpi ne, %sign3A_302, %sign3A_309 : i32
          %rem3A_311 = arith.remsi %sub3A_293, %jit3A_294 : i32
          %ne3A_312 = arith.constant 0 : i32
          %ne3A_313 = arith.cmpi ne, %rem3A_311, %ne3A_312 : i32
          %and3A_314 = arith.andi %ne3A_310, %ne3A_313 : i1
          %sub3A_315 = arith.constant 1 : i32
          %sub3A_316 = arith.subi %div3A_295, %sub3A_315 : i32
          %select_n3A_317 = arith.select %and3A_314, %sub3A_316, %div3A_295 : i32
          %add3A_318 = arith.constant 1 : i32
          %add3A_319 = arith.addi %select_n3A_317, %add3A_318 : i32
          %broadcast_in_dim3A_320 = vector.broadcast %reduce_max3A_110 : i32 to vector<16xi32>
          %while3A_321 = arith.constant 0 : i32
          %while3A_322 = arith.constant 1.000000e+00 : f32
          %while3A_323 = arith.subi %add3A_319, %while3A_321 : i32
          %while3A_324 = arith.addi %while3A_321, %while3A_323 : i32
          %while3A_325 = arith.constant 1 : i32
          %while3A_326 = arith.divsi %while3A_323, %while3A_325 : i32
          %while3A_327 = arith.muli %while3A_326, %while3A_325 : i32
          %while3A_328 = arith.addi %while3A_321, %while3A_327 : i32
          %while3A_329 = arith.constant 1 : i32
          %while3A_330 = scf.for %while3A_335 = %while3A_321 to %while3A_328 step %while3A_329 iter_args(%while3A_336 = %while3A_322) -> (f32)  : i32 {
            %mul3A_337 = arith.constant 16 : i32
            %mul3A_338 = arith.muli %while3A_335, %mul3A_337 : i32
            %add3A_339 = arith.addi %reduce_min3A_101, %mul3A_338 : i32
            %add3A_340 = vector.broadcast %add3A_339 : i32 to vector<16xi32>
            %add3A_341 = arith.addi %add3A_340, %iota3A : vector<16xi32>
            %min3A_342 = arith.minsi %add3A_341, %broadcast_in_dim3A_320 : vector<16xi32>
            %gather3A = tpu.vector_load_idx %arg14[%min3A_342] : memref<112xf32, #tpu.memory_space<vmem>>[vector<16xi32>], vector<16xf32>,
            %reduce_min3A_343 = arith.constant true
            %reduce_min3A_344 = vector.broadcast %reduce_min3A_343 : i1 to vector<16xi1>
            %reduce_min3A_345 = tpu.scan <min>, %gather3A masked %reduce_min3A_344 : vector<16xf32>, vector<16xi1> -> vector<16xf32>
            %reduce_min3A_346 = vector.extract %reduce_min3A_345[15] : f32 from vector<16xf32>
            %min3A_347 = arith.minimumf %while3A_336, %reduce_min3A_346 : f32
            scf.yield %min3A_347 : f32
          }
          %while3A_331 = arith.constant 1 : i32
          %while3A_332 = scf.for %while3A_335 = %while3A_328 to %while3A_324 step %while3A_331 iter_args(%while3A_336 = %while3A_330) -> (f32)  : i32 {
            %mul3A_337 = arith.constant 16 : i32
            %mul3A_338 = arith.muli %while3A_335, %mul3A_337 : i32
            %add3A_339 = arith.addi %reduce_min3A_101, %mul3A_338 : i32
            %add3A_340 = vector.broadcast %add3A_339 : i32 to vector<16xi32>
            %add3A_341 = arith.addi %add3A_340, %iota3A : vector<16xi32>
            %min3A_342 = arith.minsi %add3A_341, %broadcast_in_dim3A_320 : vector<16xi32>
            %gather3A = tpu.vector_load_idx %arg14[%min3A_342] : memref<112xf32, #tpu.memory_space<vmem>>[vector<16xi32>], vector<16xf32>,
            %reduce_min3A_343 = arith.constant true
            %reduce_min3A_344 = vector.broadcast %reduce_min3A_343 : i1 to vector<16xi1>
            %reduce_min3A_345 = tpu.scan <min>, %gather3A masked %reduce_min3A_344 : vector<16xf32>, vector<16xi1> -> vector<16xf32>
            %reduce_min3A_346 = vector.extract %reduce_min3A_345[15] : f32 from vector<16xf32>
            %min3A_347 = arith.minimumf %while3A_336, %reduce_min3A_346 : f32
            scf.yield %min3A_347 : f32
          }
          %gt3A_333 = arith.constant 0.000000e+00 : f32
          %gt3A_334 = arith.cmpf ogt, %while3A_332, %gt3A_333 : f32
          scf.yield %gt3A_334 : i1
        }
        %add3A_273 = arith.constant 1 : i32
        %add3A_274 = arith.addi %while3A_194, %add3A_273 : i32
        scf.yield %add3A_274, %cond3A_272 : i32, i1
      }
      %cond3A_193 = arith.constant 0 : i32
      scf.yield %cond3A_193 : i32
    }
    "tpu.region"() ({
      %run_scoped3A = tpu.sem_alloc : memref<!tpu.dma_semaphore, #tpu.memory_space<semaphore_mem>>
      %dma_start3A_177 = arith.constant 0 : i32
      %dma_start3A_178 = tpu.memref_slice %arg10[%add3A, %dma_start3A_177] : memref<32x112xf32, #tpu.memory_space<hbm>> -> memref<1x112xf32, #tpu.memory_space<hbm>>
      %dma_start3A_179 = tpu.memref_squeeze %dma_start3A_178 : memref<1x112xf32, #tpu.memory_space<hbm>> -> memref<112xf32, #tpu.memory_space<hbm>>
      %dma_start3A_180 = arith.constant 0 : i32
      %dma_start3A_181 = tpu.memref_slice %arg10[%add3A, %dma_start3A_180] : memref<32x112xf32, #tpu.memory_space<hbm>> -> memref<1x112xf32, #tpu.memory_space<hbm>>
      %dma_start3A_182 = tpu.memref_squeeze %dma_start3A_181 : memref<1x112xf32, #tpu.memory_space<hbm>> -> memref<112xf32, #tpu.memory_space<hbm>>
      tpu.enqueue_dma source(%arg14 : memref<112xf32, #tpu.memory_space<vmem>>) target(%dma_start3A_182 : memref<112xf32, #tpu.memory_space<hbm>>) target_semaphore(%run_scoped3A : memref<!tpu.dma_semaphore, #tpu.memory_space<semaphore_mem>>)
      %dma_wait3A_183 = arith.constant 0 : i32
      %dma_wait3A_184 = tpu.memref_slice %arg10[%add3A, %dma_wait3A_183] : memref<32x112xf32, #tpu.memory_space<hbm>> -> memref<1x112xf32, #tpu.memory_space<hbm>>
      %dma_wait3A_185 = tpu.memref_squeeze %dma_wait3A_184 : memref<1x112xf32, #tpu.memory_space<hbm>> -> memref<112xf32, #tpu.memory_space<hbm>>
      %dma_wait3A_186 = arith.constant 0 : i32
      %dma_wait3A_187 = tpu.memref_slice %arg10[%add3A, %dma_wait3A_186] : memref<32x112xf32, #tpu.memory_space<hbm>> -> memref<1x112xf32, #tpu.memory_space<hbm>>
      %dma_wait3A_188 = tpu.memref_squeeze %dma_wait3A_187 : memref<1x112xf32, #tpu.memory_space<hbm>> -> memref<112xf32, #tpu.memory_space<hbm>>
      tpu.wait_dma2 semaphore(%run_scoped3A : memref<!tpu.dma_semaphore, #tpu.memory_space<semaphore_mem>>) src(%arg14 : memref<112xf32, #tpu.memory_space<vmem>>) dst(%dma_wait3A_188 : memref<112xf32, #tpu.memory_space<hbm>>)
      tpu.yield
    }) : () -> ()
    return
  }
}

</mosaic_0001>

<sc_bundles>
// kernel: _repulsive_sc.3.cloned.1.call-start
scs
__scs_entry_jumppad:
0x0: {  	(pc) =	sbr.rel $0x88, $3  }
0x1: {  	(tag) =	ssettag $0x0;
	lr =	simm.s32 $0x1  }
0x2: {  	[smem:$0x3F99] =	sst lr;
	_ =	strace $0xD0000000  }
0x3: {  	_ = 	snop  }
0x4: {  	_ = 	snop  }
0x5: {  	_ = 	snop  }
0x6: {  	_ = 	snop  }
0x7: {  	_ = 	snop  }
__scs_overlays_trampoline_lowered:
0x8: {  	[smem:$0x3FA8] =	sst s0  }
0x9: {  	[smem:$0x3FA9] =	sst s1  }
0xa: {  	[smem:$0x3FAA] =	sst s2  }
0xb: {  	[smem:$0x3FAB] =	sst s3  }
0xc: {  	[smem:$0x3FAC] =	sst s4  }
0xd: {  	[smem:$0x3FAD] =	sst s5  }
0xe: {  	[smem:$0x3FAE] =	sst s6  }
0xf: {  	[smem:$0x3FAF] =	sst s7  }
0x10: {  	[smem:$0x3FB0] =	sst s8  }
0x11: {  	[smem:$0x3FB1] =	sst s9;
	s0 =	simm.s32 @!p0 $0x0  }
0x12: {  	s1 =	sld [smem:$0x3F97];
	s0 =	simm.s32 @p0 $0x1  }
0x13: {  	[smem:$0x3FB2] =	sst s0;
	s0 =	simm.s32 @!p1 $0x0  }
0x14: {  	s2 =	sld [smem:$0x3F96];
	s0 =	simm.s32 @p1 $0x1  }
0x15: {  	[smem:$0x3FB3] =	sst s0;
	s0 =	simm.s32 @!p2 $0x0  }
0x16: {  	s3 =	sld [smem:$0x3FDB];
	s0 =	simm.s32 @p2 $0x1  }
0x17: {  	s4 =	simm.s32 $0x1BF5;
	[smem:$0x3FB5] =	sst s0  }
0x18: {  	s0 =	sld [smem:$0x3F98];
	_ =	swait.ge [sflag:s4], $0x0  }
0x19: {  	s7 =	sld [smem:$0x3F99]  }
0x1a: {  	s8 =	sadd.s32 $0xFFFFE003, lr  }
0x1b: {  	s9 =	sadd.s32 $0xFFFFFEF7, lr;
	s5 =	simm.s32 $0xFFFFFFFF;
	p2 =	slt.u32 s8, $0xFFFFF086  }
0x1c: {  	p1 =	slt.u32 s9, $0xF7A;
	s5 =	simm.s32 @!p2 $0x0  }
0x1d: {  	s5 =	simm.s32 @p1 $0x1;
	p0 =	seq.s32 s7, s2  }
0x1e: {  	s7 =	smul.u32 @!p0 $0xF7A, s2;
	p2 =	seq.s32 @!p0 s5, $0x0  }
0x1f: {  	s9 =	smul.u32 $0xF7A, s1;
	s8 =	simm.s32 @!p0 $0x1BF5;
	p2 =	por !p2, p0  }
0x20: {  	[sflag:s8] =	ssyncset.s32 @!p0 $0xFFFFF086;
	s6 =	sadd.s32 @!p0 s3, s7;
	s7 =	simm.s32 @!p0 $0x108  }
0x21: {  	s3 =	sadd.s32 s3, s9;
	s6 =	sadd.s32 @!p0 $0x88, s6;
	s7 =	simm.s32 @p2 $0x1082  }
0x22: {  	[simem:s7], [sflag:s8] =	dma.local @!p0 [hbm:s6], $0xF7A  }
0x23: {  	s9 =	sor.u32 $0xD0000000, s2;
	s6 =	simm.s32 $0x108;
	_ =	swait.ge @!p0 [sflag:s8], $0x0  }
0x24: {  	s3 =	sadd.s32 $0x88, s3;
	s6 =	simm.s32 @!p1 $0x1082;
	[sflag:s4] =	ssyncset.s32 $0xFFFFF086  }
0x25: {  	[simem:s6], [sflag:s4] =	dma.local [hbm:s3], $0xF7A  }
0x26: {  	[smem:$0x3F99] =	sst s1;
	(tag) =	ssettag s2;
	_ =	strace s9  }
0x27: {  	s1 =	sld [smem:$0x3FA9]  }
0x28: {  	s2 =	sld [smem:$0x3FAA]  }
0x29: {  	s4 =	sld [smem:$0x3FAC]  }
0x2a: {  	p0 =	seq.s32 s5, $0x0;
	s5 =	sld [smem:$0x3FAD]  }
0x2b: {  	s6 =	sld [smem:$0x3FAE]  }
0x2c: {  	s7 =	sld [smem:$0x3FAF]  }
0x2d: {  	s3 =	simm.s32 $0x108;
	s8 =	sld [smem:$0x3FB0]  }
0x2e: {  	s3 =	simm.s32 @!p0 $0x1082;
	s9 =	sld [smem:$0x3FB1]  }
0x2f: {  	lr =	sadd.s32 s0, s3;
	s0 =	sld [smem:$0x3FA8]  }
0x30: {  	s3 =	sld [smem:$0x3FAB]  }
0x31: {  	[smem:$0x3FB4] =	sst s10  }
0x32: {  	s10 =	sld [smem:$0x3FB2];
	_ =	sdelay $0x3  }
0x33: {  	p0 =	seq.s32 s10, $0x1;
	s10 =	sld [smem:$0x3FB4];
	_ =	sdelay $0x3  }
0x34: {  	[smem:$0x3FB4] =	sst s10  }
0x35: {  	s10 =	sld [smem:$0x3FB3];
	_ =	sdelay $0x3  }
0x36: {  	p1 =	seq.s32 s10, $0x1;
	s10 =	sld [smem:$0x3FB4];
	_ =	sdelay $0x3  }
0x37: {  	[smem:$0x3FB4] =	sst s10  }
0x38: {  	s10 =	sld [smem:$0x3FB5]  }
0x39: {  	_ = 	snop;
	(pc) =	sbr.ind lr, $3  }
0x3a: {  	_ = 	snop  }
0x3b: {  	_ = 	snop  }
0x3c: {  	p2 =	seq.s32 s10, $0x1;
	s10 =	sld [smem:$0x3FB4]  }
0x3d: {  	_ =	shalt  }
0x3e: {  	_ =	shalt  }
0x3f: {  	_ =	shalt  }
0x40: {  	_ =	shalt  }
0x41: {  	_ =	shalt  }
0x42: {  	_ =	shalt  }
0x43: {  	_ =	shalt  }
0x44: {  	_ =	shalt  }
0x45: {  	_ =	shalt  }
0x46: {  	_ =	shalt  }
0x47: {  	_ =	shalt  }
0x48: {  	_ =	shalt  }
0x49: {  	_ =	shalt  }
0x4a: {  	_ =	shalt  }
0x4b: {  	_ =	shalt  }
0x4c: {  	_ =	shalt  }
0x4d: {  	_ =	shalt  }
0x4e: {  	_ =	shalt  }
0x4f: {  	_ =	shalt  }
0x50: {  	_ =	shalt  }
0x51: {  	_ =	shalt  }
0x52: {  	_ =	shalt  }
0x53: {  	_ =	shalt  }
0x54: {  	_ =	shalt  }
0x55: {  	_ =	shalt  }
0x56: {  	_ =	shalt  }
0x57: {  	_ =	shalt  }
0x58: {  	_ =	shalt  }
0x59: {  	_ =	shalt  }
0x5a: {  	_ =	shalt  }
0x5b: {  	_ =	shalt  }
0x5c: {  	_ =	shalt  }
0x5d: {  	_ =	shalt  }
0x5e: {  	_ =	shalt  }
0x5f: {  	_ =	shalt  }
0x60: {  	_ =	shalt  }
0x61: {  	_ =	shalt  }
0x62: {  	_ =	shalt  }
0x63: {  	_ =	shalt  }
0x64: {  	_ =	shalt  }
0x65: {  	_ =	shalt  }
0x66: {  	_ =	shalt  }
0x67: {  	_ =	shalt  }
0x68: {  	_ =	shalt  }
0x69: {  	_ =	shalt  }
0x6a: {  	_ =	shalt  }
0x6b: {  	_ =	shalt  }
0x6c: {  	_ =	shalt  }
0x6d: {  	_ =	shalt  }
0x6e: {  	_ =	shalt  }
0x6f: {  	_ =	shalt  }
0x70: {  	_ =	shalt  }
0x71: {  	_ =	shalt  }
0x72: {  	_ =	shalt  }
0x73: {  	_ =	shalt  }
0x74: {  	_ =	shalt  }
0x75: {  	_ =	shalt  }
0x76: {  	_ =	shalt  }
0x77: {  	_ =	shalt  }
0x78: {  	_ =	shalt  }
0x79: {  	_ =	shalt  }
0x7a: {  	_ =	shalt  }
0x7b: {  	_ =	shalt  }
0x7c: {  	_ =	shalt  }
0x7d: {  	_ =	shalt  }
0x7e: {  	_ =	shalt  }
0x7f: {  	_ =	shalt  }
0x80: {  	_ =	shalt  }
0x81: {  	_ =	shalt  }
0x82: {  	_ =	shalt  }
0x83: {  	_ =	shalt  }
0x84: {  	_ =	shalt  }
0x85: {  	_ =	shalt  }
0x86: {  	_ =	shalt  }
0x87: {  	_ =	shalt  }
.Lfunc_end0:
.L_simem_size_0:
called_computation_lowered:
.L_overlay_start_0:
0x88: {  	s2 =	sld [smem:$0x3FD9]  }
0x89: {  	s3 =	sld [smem:$0x3FFE];
	_ =	sdelay $0x1  }
0x8a: {  	s1 =	srdreg.scid  }
0x8b: {  	s0 =	sand.u32 $0x1, s1  }
0x8c: {  	s18 =	sshll.u32 s0, $0xA;
	s2 =	sadd.s32 s3, s2  }
0x8d: {  	s2 =	sadd.s32 s2, s18  }
0x8e: {  	[smem:$0x3FC0] =	sst s2  }
0x8f: {  	_ = 	snop  }
0x90: {  	s2 =	sld [smem:$0x3FC9]  }
0x91: {  	s19 =	sld [smem:$0x3FC8]  }
0x92: {  	s4 =	sld [smem:$0x3FC7]  }
0x93: {  	s5 =	sld [smem:$0x3FC6]  }
0x94: {  	s6 =	sld [smem:$0x3FC5]  }
0x95: {  	s7 =	sld [smem:$0x3FC4]  }
0x96: {  	s8 =	sld [smem:$0x3FC3]  }
0x97: {  	s9 =	sld [smem:$0x3FC2]  }
0x98: {  	s10 =	sld [smem:$0x3FD0];
	(tm) =	ssettm $0x1  }
0x99: {  	s11 =	sld [smem:$0x3FFB];
	_ =	sdelay $0x3  }
0x9a: {  	_ =	strace s11  }
0x9b: {  	s11 =	sld [smem:$0x3FFC];
	_ =	sdelay $0x3  }
0x9c: {  	_ =	strace s11  }
0x9d: {  	s11 =	sld [smem:$0x3FFD];
	_ =	sdelay $0x3  }
0x9e: {  	_ =	strace s11  }
0x9f: {  	_ =	strace $0x8FFFFFFF  }
0xa0: {  	s20 =	sld [smem:$0x3FDB];
	_ =	sdelay $0x1  }
0xa1: {  	s12 =	simm.s32 $_scs_section_size  }
0xa2: {  	s13 =	simm.s32 $_size__tile_overlayer_lowered;
	s14 =	simm.s32 $_tile_overlayer_lowered  }
0xa3: {  	s23 =	simm.s32 $0x1BFF;
	s22 =	sshll.u32 s14, $0x1;
	s11 =	sadd.s32 s12, s20  }
0xa4: {  	s15 =	simm.s32 $0x0;
	s21 =	sshll.u32 s13, $0x1;
	s13 =	sadd.s32 s22, s11  }
0xa5: {  	[timem:s15], [sflag:s23] =	dma.local [hbm:s13], s21  }
0xa6: {  	_ =	swait.ge [sflag:s23], s21  }
0xa7: {  	s12 =	ssub.s32 $0x0, s21;
	[sflag:s23] =	ssyncset.done $0x0  }
0xa8: {  	[sflag:s23] =	ssyncadd.s32 s12;
	_ =	sdelay $0x1  }
0xa9: {  	s24 =	simm.s32 $0x1B8B  }
0xaa: {  	_ =	swait.ge [sflag:s24], $0x1  }
0xab: {  	[sflag:s24] =	ssyncset.done $0x0  }
0xac: {  	s25 =	simm.s32 $0x1B8E;
	[sflag:s24] =	ssyncadd.s32 $0xFFFFFFFF  }
0xad: {  	s26 =	simm.s32 $execute0_lowered;
	[smem:$0x3FD2] =	sst s25  }
0xae: {  	s12 =	sshll.u32 s26, $0x1;
	_ =	strace $0x80000046;
	[dreg:$0x1] =	wrdreg $0xFFFFFFFF  }
0xaf: {  	s28 =	simm.s32 $_size_execute0_lowered;
	s11 =	sadd.s32 s11, s12;
	[dreg:$0x0] =	wrdreg $0x0  }
0xb0: {  	s12 =	sshll.u32 s28, $0x1;
	[dreg:$0x2] =	wrdreg s11  }
0xb1: {  	[dreg:$0x3] =	wrdreg s12  }
0xb2: {  	[dreg:$0x4] =	wrdreg $0xC0  }
0xb3: {  	_ =	task [dreg:s15], $0x5FFFF  }
0xb4: {  	[dreg:$0x1] =	wrdreg $0xFFFFFFFF  }
0xb5: {  	[dreg:$0x0] =	wrdreg $0x60  }
0xb6: {  	[dreg:$0x2] =	wrdreg s2  }
0xb7: {  	[dreg:$0x3] =	wrdreg s19  }
0xb8: {  	[dreg:$0x4] =	wrdreg s4  }
0xb9: {  	[dreg:$0x5] =	wrdreg s5  }
0xba: {  	[dreg:$0x6] =	wrdreg s6  }
0xbb: {  	[dreg:$0x7] =	wrdreg s7  }
0xbc: {  	[dreg:$0x8] =	wrdreg s8  }
0xbd: {  	[dreg:$0x9] =	wrdreg s9  }
0xbe: {  	[dreg:$0xa] =	wrdreg s10  }
0xbf: {  	[dreg:$0xb] =	wrdreg $0x9  }
0xc0: {  	_ =	task.clear_ibuf [dreg:s15], $0xCFFFF;
	_ =	strace $0x90000046  }
0xc1: {  	s29 =	simm.s32 $0x9;
	_ =	strace $0x80000048  }
0xc2: {  	_ =	swait.ge [sflag:s29], $0x1  }
0xc3: {  	[sflag:s29] =	ssyncadd.s32 $0xFFFFFFFF  }
0xc4: {  	_ =	strace $0x90000048  }
0xc5: {  	_ =	sfence  }
0xc6: {  	s30 =	sld [smem:$0x0];
	_ =	sdelay $0x2  }
0xc7: {  	s31 =	sshll.u32 s1, $0xD;
	s1 =	sshrl.u32 s1, $0x2  }
0xc8: {  	s3 =	sand.u32 $0x4000, s31;
	s1 =	sadd.s32 s1, s30  }
0xc9: {  	s0 =	sor.u32 s3, s0;
	s1 =	sshll.u32 s1, $0x11  }
0xca: {  	s0 =	sor.u32 s1, s0  }
0xcb: {  	s0 =	sadd.s32 $0x8F2B, s0  }
0xcc: {  	[sflag:s0] =	ssyncadd.remote.s32 $0x1  }
0xcd: {  	_ =	sfence.sel $0xFFFF  }
0xce: {  	[dreg:$0x0] =	wrdreg $0xFFFFFFFF;
	(pc) =	sbr.abs _section_cstart, $3  }
0xcf: {  	[dreg:$0x1] =	wrdreg $0xFFFFFFFF  }
0xd0: {  	_ =	task.clear_ibuf [dreg:s15], $0x2FFFF;
	_ =	strace $0x9FFFFFFF  }
0xd1: {  	(tm) =	ssettm $0x7FFFFFFF  }
tec
execute0_lowered:
.L_overlay_start_1:
0x0: {  	(tag) =	ssettag $0x1  }
0x1: {  	s0 =	rddreg [dreg:$0x0]  }
0x2: {  	s2 =	rddreg [dreg:$0x2]  }
0x3: {  	s18 =	rddreg [dreg:$0x3]  }
0x4: {  	s19 =	rddreg [dreg:$0x4]  }
0x5: {  	s24 =	rddreg [dreg:$0x5]  }
0x6: {  	s1 =	rddreg [dreg:$0x8];
	s10 =	simm.s32 $0x0  }
0x7: {  	s3 =	srdreg.scid;
	s5 =	stileid.u32;
	s30 =	simm.s32 $0x18900  }
0x8: {  	s28 =	simm.s32 $0x180;
	s29 =	simm.s32 $0x2;
	[smem:$0x7FF] =	sst s10  }
0x9: {  	s3 =	sand.u32 $0x1, s3;
	s4 =	sshll.u32 s5, $0x1;
	s5 =	sshll.u32 s5, $0x3  }
0xa: {  	_ =	strace $0x80000047;
	s6 =	sshll.u32 s3, $0x2;
	s7 =	ssub.s32 $0x2, s3  }
0xb: {  	s3 =	sor.u32 s3, s4;
	s16 =	sor.u32 s6, s5;
	s17 =	sshrl.u32 s7, $0x1  }
0xc: {  	s11 =	smul.u32 $0x30D40, s3;
	s8 =	sshll.u32 s3, $0x2;
	s25 =	sshll.u32 s3, $0x4  }
0xd: {  	p0 =	sgt.u32 s3, $0x18;
	s6 =	smin.u32 s16, $0x64;
	s4 =	smin.u32 s16, $0x5C  }
0xe: {  	s5 =	ssub.s32 s7, s17;
	s20 =	smin.u32 s8, $0x64;
	s21 =	smin.u32 s8, $0x60  }
0xf: {  	s8 =	smin.u32 s8, $0x5C;
	s1 =	sadd.s32 s1, s25;
	s6 =	smul.u32 $0xFA0, s6  }
0x10: {  	s25 =	simm.s32 $0x1;
	[dreg:$0xa] =	wrdreg s20;
	s4 =	smul.u32 $0xFA0, s4  }
0x11: {  	s9 =	sshrl.u32 s11, $0x3;
	s8 =	smul.u32 $0x7D, s8;
	s14 =	sadd.s32 $0x4, s21  }
0x12: {  	[dreg:$0xe] =	wrdreg s1;
	s26 =	smax.u32 s5, $0x1;
	s1 =	simm.s32 @!p0 $0x0  }
0x13: {  	s20 =	simm.s32 $0x80;
	s21 =	simm.s32 $0x100;
	s9 =	sadd.s32 s2, s9  }
0x14: {  	[dreg:$0xf] =	wrdreg s26;
	s1 =	simm.s32 @p0 $0x1;
	s26 =	simm.s32 $0x1A880  }
.Ltmp0:
0x15: {  	s4 =	ssub.s32 s6, s4;
	[dreg:$0xb] =	wrdreg s9;
	(pc) =	sbr.rel .LBB2_1-.Ltmp0, $4  }
0x16: {  	v0 =	vlaneseq.u32;
	s22 =	sadd.s32 $0x61A6, s9;
	[smem:$0x7FD] =	sst s1;
	s4 =	sadd.s32 $0xC0, s4  }
0x17: {  	v3 =	vmul.u32 $0xFFFFFFFF, v0;
	s23 =	sadd.s32 s0, s8;
	[dreg:$0xc] =	wrdreg s22;
	s4 =	sshra.s32 s4, $0x2  }
0x18: {  	s9 =	simm.s32 $0x200;
	[dreg:$0xd] =	wrdreg s23;
	s31 =	sadd.s32 $0x18900, s4  }
0x19: {  	v1 =	vimm.f32 $0.0e+00;
	v2 =	vimm.f32 $1.000000000e+00;
	v3 =	vadd.s32 $0x3E8, v3;
	s1 =	simm.s32 $0x0;
	s22 =	simm.s32 $0x1C800;
	[dreg:$0x10] =	wrdreg s31  }
.LBB2_68:
0x1a: {  	s3 =	rddreg [dreg:$0xe]  }
0x1b: {  	[hbm4b:s3+s10] =	stream.linear.scatter [tilespmem:s28], [sflag:$0x2], $0x80, $0x38;
	[tilespmem:$0x1E800] =	vst v63  }
0x1c: {  	_ =	swait.ge [sflag:s29], $0x80  }
0x1d: {  	s1 =	sadd.s32 $0x1, s1;
	s31 =	rddreg [dreg:$0xf]  }
0x1e: {  	p0 =	sne.s32 s1, s31  }
.Ltmp1:
0x1f: {  	_ = 	snop;
	(pc) =	sbr.rel @!p0 .LBB2_69-.Ltmp1, $3  }
0x20: {  	_ =	sdelay $0x1  }
0x21: {  	[sflag:s29] =	ssyncset.done $0x0  }
0x22: {  	[sflag:s29] =	ssyncadd.s32 $0xFFFFFF80  }
.LBB2_1:
0x23: {  	s3 =	rddreg [dreg:$0x7]  }
0x24: {  	[tilespmem:s10], [sflag:$0x1] =	stream.linear.gather [hbm4b:s3+s10], $0x64, $0x38;
	[tilespmem:$0x1E800] =	vst v63  }
0x25: {  	s13 =	rddreg [dreg:$0x6]  }
0x26: {  	[tilespmem:s20], [sflag:$0x1] =	stream.linear.gather [hbm4b:s13+s10], $0x64, $0x38;
	[tilespmem:$0x1E800] =	vst v63  }
0x27: {  	s4 =	rddreg [dreg:$0x1]  }
0x28: {  	[tilespmem:s21], [sflag:$0x1] =	stream.linear.gather [hbm4b:s4+s10], $0x64, $0x38;
	[tilespmem:$0x1E800] =	vst v63  }
0x29: {  	s15 =	rddreg [dreg:$0xb]  }
0x2a: {  	[tilespmem:s22], [sflag:$0x1] =	stream.linear.gather [hbm4b:s15+s10], $0x10, $0x38;
	[tilespmem:$0x1E800] =	vst v63  }
0x2b: {  	s16 =	rddreg [dreg:$0xc];
	s17 =	simm.s32 $0x1C810  }
0x2c: {  	[tilespmem:s17], [sflag:$0x1] =	stream.linear.gather [hbm4b:s16+s10], $0x10, $0x38;
	[tilespmem:$0x1E800] =	vst v63  }
0x2d: {  	s23 =	rddreg [dreg:$0xd]  }
0x2e: {  	[tilespmem:s30], [sflag:$0x1] =	stream.linear.gather [hbm4b:s23+s10], $0x1F40, $0x38;
	[tilespmem:$0x1E800] =	vst v63  }
0x2f: {  	[tilespmem:$0x180] =	vst v1  }
0x30: {  	[tilespmem:$0x190] =	vst v1  }
0x31: {  	[tilespmem:$0x1A0] =	vst v1  }
0x32: {  	[tilespmem:$0x1B0] =	vst v1  }
0x33: {  	[tilespmem:$0x1C0] =	vst v1  }
0x34: {  	[tilespmem:$0x1D0] =	vst v1  }
0x35: {  	[tilespmem:$0x1E0] =	vst v1  }
0x36: {  	_ =	swait.ge [sflag:s25], $0x64  }
0x37: {  	[sflag:s25] =	ssyncset.done $0x0  }
0x38: {  	[sflag:s25] =	ssyncadd.s32 $0xFFFFFF9C  }
0x39: {  	_ =	swait.ge [sflag:s25], $0x64  }
0x3a: {  	[sflag:s25] =	ssyncset.done $0x0  }
0x3b: {  	[sflag:s25] =	ssyncadd.s32 $0xFFFFFF9C  }
0x3c: {  	_ =	swait.ge [sflag:s25], $0x64  }
0x3d: {  	[sflag:s25] =	ssyncset.done $0x0  }
0x3e: {  	[sflag:s25] =	ssyncadd.s32 $0xFFFFFF9C  }
0x3f: {  	_ =	swait.ge [sflag:s25], $0x10  }
0x40: {  	[sflag:s25] =	ssyncset.done $0x0  }
0x41: {  	[sflag:s25] =	ssyncadd.s32 $0xFFFFFFF0  }
0x42: {  	_ =	swait.ge [sflag:s25], $0x10  }
0x43: {  	[sflag:s25] =	ssyncset.done $0x0  }
0x44: {  	[sflag:s25] =	ssyncadd.s32 $0xFFFFFFF0  }
0x45: {  	_ =	swait.ge [sflag:s25], $0x1F40  }
0x46: {  	[sflag:s25] =	ssyncset.done $0x0  }
0x47: {  	[sflag:s25] =	ssyncadd.s32 $0xFFFFE0C0  }
0x48: {  	v4 =	vld [tilespmem:$0x1C800];
	_ =	sdelay $0x4  }
0x49: {  	v4 =	vxor.u32 $0x80000000, v4  }
0x4a: {  	(xrf0) =	vmin.scan.msk.u32 $0xffff, v4  }
0x4b: {  	v4 =	vld [tilespmem:$0x1C810];
	_ =	sdelay $0x4  }
0x4c: {  	v4 =	vxor.u32 $0x80000000, v4;
	v5, _, _ =	vpop (xrf0)  }
0x4d: {  	(xrf0) =	vmax.scan.msk.u32 $0xffff, v4;
	(v2sf) =	vpush v5, $0xF;
	_ =	sdelay $0x5  }
0x4e: {  	v4, _, _ =	vpop (xrf0)  }
0x4f: {  	(v2sf) =	vpush v4, $0xF;
	_ =	sdelay $0x7  }
0x50: {  	s31 =	sld [smem:$0x7FD];
	s23 =	spop (v2sf)  }
0x51: {  	s15 =	sxor.u32 $0x80000000, s23  }
0x52: {  	p0 =	sgt.s32 s15, $0x0;
	s4 =	smov.u32 s15  }
0x53: {  	s4 =	simm.s32 @!p0 $0x0;
	p0 =	seq.s32 s31, $0x1  }
.Ltmp2:
0x54: {  	s4 =	smin.u32 s4, $0x5C;
	(pc) =	sbr.rel @p0 .LBB2_5-.Ltmp2, $4  }
0x55: {  	s4 =	smul.u32 $0x7D, s4  }
0x56: {  	s7 =	rddreg [dreg:$0x10]  }
0x57: {  	s8 =	rddreg [dreg:$0xa];
	s16 =	spop (v2sf);
	s4 =	sadd.s32 s0, s4  }
0x58: {  	[tilespmem:s26], [sflag:$0x1] =	stream.linear.gather [hbm4b:s4+s10], $0x1F40, $0x38;
	[tilespmem:$0x1E800] =	vst v63  }
.LBB2_2:
0x59: {  	s4 =	simm.s32 $0x0;
	v4 =	vld [tilespmem:s7+$0xFFFFFFD0]  }
0x5a: {  	v5 =	vmov s4  }
0x5b: {  	v6 =	vld [tilespmem:s7+$0xFFFFFFE0];
	s12 =	simm.s32 $0x10;
	vm0 =	vlt.u32 v5, v3  }
0x5c: {  	v5 =	vmov s12  }
0x5d: {  	v7 =	vld [tilespmem:s7+$0xFFFFFFF0];
	s13 =	simm.s32 $0x20;
	vm1 =	vlt.u32 v5, v3  }
0x5e: {  	v8 =	vld [tilespmem:s7+$0x0];
	v5 =	vmov s13  }
0x5f: {  	s17 =	simm.s32 $0x30;
	v9 =	vld [tilespmem:s7+$0x10];
	vm2 =	vlt.u32 v5, v3  }
0x60: {  	s30 =	simm.s32 $0x40;
	v10 =	vld [tilespmem:s7+$0x20];
	v5 =	vmov s17  }
0x61: {  	vm4 =	vlt.u32 v5, v3;
	v5 =	vmov s30;
	v4 =	vld.idx.msk [tilespmem:v4+s20+$0x0], vm0  }
0x62: {  	s31 =	simm.s32 $0x50;
	v11 =	vld [tilespmem:s7+$0x30];
	vm3 =	vlt.u32 v5, v3  }
0x63: {  	s3 =	simm.s32 $0x60;
	s5 =	sadd.s32 $0x70, s7;
	v5 =	vmov s31;
	v6 =	vld.idx.msk [tilespmem:v6+s20+$0x0], vm1  }
0x64: {  	v12 =	vld [tilespmem:s5+$0xFFFFFFD0];
	vm5 =	vlt.u32 v5, v3;
	v5 =	vmov s3  }
0x65: {  	vm6 =	vlt.u32 v5, v3;
	v7 =	vld.idx.msk [tilespmem:v7+s20+$0x0], vm2  }
0x66: {  	v14 =	vld [tilespmem:s5+$0xFFFFFFE0];
	s12 =	simm.s32 $0x70;
	v5 =	vimm.f32 $0.0e+00;
	v4 =	vnsel vm0, $0x0, v4  }
0x67: {  	v13 =	vmov s12;
	v8 =	vld.idx.msk [tilespmem:v8+s20+$0x0], vm4;
	v4 =	vadd.f32 v4, v5  }
0x68: {  	s6 =	simm.s32 $0x80;
	v9 =	vld.idx.msk [tilespmem:v9+s20+$0x0], vm3;
	vm0 =	vlt.u32 v13, v3;
	v5 =	vnsel vm1, $0x0, v6  }
0x69: {  	v13 =	vld [tilespmem:s5+$0xFFFFFFF0];
	v6 =	vmov s6;
	v4 =	vadd.f32 v5, v4  }
0x6a: {  	s13 =	simm.s32 $0x90;
	v10 =	vld.idx.msk [tilespmem:v10+s20+$0x0], vm5;
	vm1 =	vlt.u32 v6, v3;
	v6 =	vnsel vm2, $0x0, v7  }
0x6b: {  	v15 =	vld.idx.msk [tilespmem:v11+s20+$0x0], vm6;
	v7 =	vmov s13;
	v6 =	vadd.f32 v6, v4  }
0x6c: {  	s17 =	simm.s32 $0xA0;
	v5 =	vld [tilespmem:s5+$0x0];
	vm2 =	vlt.u32 v7, v3;
	v7 =	vnsel vm4, $0x0, v8  }
0x6d: {  	v11 =	vmov s17;
	v4 =	vld [tilespmem:s5+$0x10];
	v7 =	vadd.f32 v7, v6  }
0x6e: {  	s30 =	simm.s32 $0xB0;
	v9 =	vnsel vm3, $0x0, v9;
	vm3 =	vlt.u32 v11, v3;
	v8 =	vld.idx.msk [tilespmem:v12+s20+$0x0], vm0  }
0x6f: {  	v11 =	vmov s30;
	v6 =	vld [tilespmem:s5+$0x20];
	v12 =	vadd.f32 v9, v7  }
0x70: {  	s31 =	simm.s32 $0xC0;
	vm4 =	vlt.u32 v11, v3;
	v10 =	vnsel vm5, $0x0, v10;
	v9 =	vld.idx.msk [tilespmem:v14+s20+$0x0], vm1  }
0x71: {  	v14 =	vmov s31;
	v7 =	vld [tilespmem:s5+$0x30];
	v11 =	vadd.f32 v10, v12  }
0x72: {  	s4 =	simm.s32 $0x7;
	s6 =	simm.s32 $0xD0;
	s5 =	sadd.s32 $0x70, s5;
	vm5 =	vlt.u32 v14, v3;
	v10 =	vld.idx.msk [tilespmem:v13+s20+$0x0], vm2;
	v12 =	vnsel vm6, $0x0, v15  }
.LBB2_3:
0x73: {  	v13 =	vld [tilespmem:s5+$0xFFFFFFD0];
	v14 =	vmov s6;
	v11 =	vadd.f32 v12, v11  }
0x74: {  	s4 =	sadd.s32 $0x7, s4;
	v8 =	vnsel vm0, $0x0, v8;
	s12 =	sadd.s32 $0x70, s12;
	v12 =	vld.idx.msk [tilespmem:v5+s20+$0x0], vm3;
	vm6 =	vlt.u32 v14, v3  }
0x75: {  	v5 =	vmov s12;
	p0 =	slt.u32 s4, $0x38;
	v14 =	vld [tilespmem:s5+$0xFFFFFFE0];
	v8 =	vadd.f32 v8, v11  }
0x76: {  	s6 =	sadd.s32 $0x10, s12;
	vm0 =	vlt.u32 v5, v3;
	v5 =	vnsel vm1, $0x0, v9;
	v9 =	vld.idx.msk [tilespmem:v4+s20+$0x0], vm4  }
0x77: {  	v4 =	vmov s6;
	v15 =	vld [tilespmem:s5+$0xFFFFFFF0];
	v8 =	vadd.f32 v5, v8  }
0x78: {  	s6 =	sadd.s32 $0x20, s12;
	vm1 =	vlt.u32 v4, v3;
	v4 =	vnsel vm2, $0x0, v10;
	v10 =	vld.idx.msk [tilespmem:v6+s20+$0x0], vm5  }
0x79: {  	v6 =	vmov s6;
	v5 =	vld [tilespmem:s5+$0x0];
	v8 =	vadd.f32 v4, v8  }
0x7a: {  	s6 =	sadd.s32 $0x30, s12;
	vm2 =	vlt.u32 v6, v3;
	v6 =	vnsel vm3, $0x0, v12;
	v12 =	vld.idx.msk [tilespmem:v7+s20+$0x0], vm6  }
0x7b: {  	v7 =	vmov s6;
	v4 =	vld [tilespmem:s5+$0x10];
	v11 =	vadd.f32 v6, v8  }
.Ltmp3:
0x7c: {  	s6 =	sadd.s32 $0x40, s12;
	vm3 =	vlt.u32 v7, v3;
	v7 =	vnsel vm4, $0x0, v9;
	v8 =	vld.idx.msk [tilespmem:v13+s20+$0x0], vm0;
	(pc) =	sbr.rel @p0 .LBB2_3-.Ltmp3, $4  }
0x7d: {  	v13 =	vmov s6;
	v6 =	vld [tilespmem:s5+$0x20];
	v11 =	vadd.f32 v7, v11  }
0x7e: {  	s6 =	sadd.s32 $0x50, s12;
	vm4 =	vlt.u32 v13, v3;
	v10 =	vnsel vm5, $0x0, v10;
	v9 =	vld.idx.msk [tilespmem:v14+s20+$0x0], vm1  }
0x7f: {  	v13 =	vmov s6;
	v7 =	vld [tilespmem:s5+$0x30];
	v11 =	vadd.f32 v10, v11  }
0x80: {  	s6 =	sadd.s32 $0x60, s12;
	vm5 =	vlt.u32 v13, v3;
	s5 =	sadd.s32 $0x70, s5;
	v12 =	vnsel vm6, $0x0, v12;
	v10 =	vld.idx.msk [tilespmem:v15+s20+$0x0], vm2  }
0x81: {  	_ =	sdelay $0x2  }
0x82: {  	v11 =	vadd.f32 v12, v11  }
0x83: {  	v61 =	vmov s6;
	v8 =	vnsel vm0, $0x0, v8  }
0x84: {  	v5 =	vld.idx.msk [tilespmem:v5+s20+$0x0], vm3;
	vm14 =	vlt.u32 v61, v3;
	v8 =	vadd.f32 v8, v11  }
0x85: {  	v9 =	vnsel vm1, $0x0, v9  }
0x86: {  	v4 =	vld.idx.msk [tilespmem:v4+s20+$0x0], vm4;
	v8 =	vadd.f32 v9, v8  }
0x87: {  	v62 =	vnsel vm2, $0x0, v10  }
0x88: {  	v6 =	vld.idx.msk [tilespmem:v6+s20+$0x0], vm5;
	v8 =	vadd.f32 v62, v8  }
0x89: {  	v5 =	vnsel vm3, $0x0, v5  }
0x8a: {  	v7 =	vld.idx.msk [tilespmem:v7+s20+$0x0], vm14;
	v5 =	vadd.f32 v5, v8  }
0x8b: {  	v4 =	vnsel vm4, $0x0, v4  }
0x8c: {  	v4 =	vadd.f32 v4, v5  }
0x8d: {  	v5 =	vnsel vm5, $0x0, v6  }
0x8e: {  	v4 =	vadd.f32 v5, v4  }
0x8f: {  	v5 =	vnsel vm14, $0x0, v7  }
0x90: {  	v4 =	vadd.f32 v5, v4;
	_ =	sdelay $0x1  }
0x91: {  	(xrf2) =	vadd.scan.msk.f32 $0xffff, v4;
	_ =	sdelay $0x2  }
0x92: {  	v4 =	vmov s8;
	_ =	sdelay $0x4  }
0x93: {  	v5 =	vld.idx.msk [tilespmem:v4+s21+$0x0], $0xffff  }
0x94: {  	s8 =	sadd.s32 $0x1, s8  }
0x95: {  	p0 =	slt.u32 s8, s14;
	v63, _, _ =	vpop (xrf2)  }
.Ltmp4:
0x96: {  	v6 =	vbroadcast v63, $0xF;
	(pc) =	sbr.rel @p0 .LBB2_2-.Ltmp4, $4  }
0x97: {  	_ = 	snop  }
0x98: {  	vm15 =	vge.f32 v5, v6  }
0x99: {  	v5 =	vsel vm15, $0x3F800000, v1  }
0x9a: {  	s7 =	sadd.s32 $0x3E8, s7;
	[tilespmem:v4+s28+$0x0] =	vst.idx.msk $0x1, v5  }
.LBB2_5:
0x9b: {  	s7 =	sxor.u32 $0x80000000, s16  }
0x9c: {  	p0 =	slt.s32 s7, s15  }
.Ltmp5:
0x9d: {  	_ = 	snop;
	(pc) =	sbr.rel @!p0 .LBB2_6-.Ltmp5, $4  }
0x9e: {  	_ = 	snop  }
0x9f: {  	_ =	swait.ge [sflag:s25], $0x1F40  }
0xa0: {  	s3 =	smov.u32 s24;
	[sflag:s25] =	ssyncset.done $0x0  }
0xa1: {  	s31 =	smov.u32 s19;
	s30 =	smov.u32 s18;
	[sflag:s25] =	ssyncadd.s32 $0xFFFFE0C0  }
.LBB2_14:
0xa2: {  	s4 =	ssub.s32 s7, s15;
	p0 =	sne.s32 s16, s23;
	s5 =	simm.s32 $0x1  }
0xa3: {  	s6 =	sshra.s32 s4, $0x1F;
	s5 =	simm.s32 @!p0 $0x0  }
0xa4: {  	s8 =	sand.u32 $0xF, s4;
	s5 =	sor.u32 s5, s6  }
0xa5: {  	p1 =	sne.s32 s8, $0x0;
	p6 =	sne.s32 s5, $0x1  }
0xa6: {  	s24 =	sshrl.u32 s6, $0x1C;
	p0 =	por !p1, !p6  }
0xa7: {  	s4 =	sadd.s32 s24, s4;
	s5 =	simm.s32 $0x1;
	p0 =	por !p0, !p0  }
0xa8: {  	s4 =	sshra.s32 s4, $0x4;
	s5 =	simm.s32 @!p0 $0x0  }
0xa9: {  	s5 =	ssub.s32 s4, s5  }
0xaa: {  	p1 =	slt.s32 s5, $0x0  }
.Ltmp6:
0xab: {  	_ = 	snop;
	(pc) =	sbr.rel @p1 .LBB2_68-.Ltmp6, $3  }
0xac: {  	_ =	sdelay $0x1  }
0xad: {  	s18 =	smov.u32 s30;
	s19 =	smov.u32 s31;
	s30 =	simm.s32 $0x18900  }
0xae: {  	s31 =	simm.s32 $0x1D800;
	s24 =	smov.u32 s3;
	s3 =	simm.s32 $0x1D000  }
0xaf: {  	s5 =	simm.s32 $0xFFFFFFFF  }
0xb0: {  	s5 =	simm.s32 @!p0 $0x0  }
0xb1: {  	s4 =	sadd.s32 s5, s4  }
0xb2: {  	s4 =	sadd.s32 $0x1, s4  }
0xb3: {  	p0 =	sne.s32 s4, $0x1  }
.Ltmp7:
0xb4: {  	_ = 	snop;
	(pc) =	sbr.rel @!p0 .LBB2_16-.Ltmp7, $4  }
0xb5: {  	s12 =	simm.f32 $1.000000000e+00;
	s8 =	sadd.s32 $0x10, s15  }
0xb6: {  	v4 =	vmov s7;
	v5 =	vadd.s32 s15, v0;
	p2 =	por $0x0, $0x0;
	s7 =	sadd.s32 $0xFFFFFFFF, s4;
	s4 =	simm.s32 @!p0 $0x0  }
0xb7: {  	p3 =	por $0x0, $0x0;
	p4 =	por $0x0, $0x0;
	vm0 =	vlt.s32 v5, v4;
	s4 =	simm.s32 @p0 $0x1  }
0xb8: {  	p5 =	por $0x0, $0x0;
	p6 =	por $0x0, $0x0;
	v6 =	vsel vm0, v5, v4;
	[smem:$0x7FC] =	sst s4  }
0xb9: {  	p0 =	sne.s32 s7, $0x1  }
.Ltmp8:
0xba: {  	_ = 	snop;
	(pc) =	sbr.rel @!p0 .LBB2_18-.Ltmp8, $4  }
0xbb: {  	_ = 	snop  }
0xbc: {  	v8 =	vadd.s32 s8, v0  }
0xbd: {  	vm1 =	vlt.s32 v8, v4  }
0xbe: {  	v7 =	vld.idx.msk [tilespmem:v6+s28+$0x0], $0xffff;
	s5 =	sadd.s32 $0xFFFFFFFF, s7;
	s4 =	sadd.s32 $0x10, s8;
	p2 =	por $0x1, $0x1;
	v6 =	vsel vm1, v8, v4  }
0xbf: {  	p0 =	sne.s32 s5, $0x1  }
.Ltmp9:
0xc0: {  	_ = 	snop;
	(pc) =	sbr.rel @!p0 .LBB2_20-.Ltmp9, $4  }
0xc1: {  	_ = 	snop  }
0xc2: {  	v9 =	vadd.s32 s4, v0  }
0xc3: {  	vm1 =	vlt.s32 v9, v4  }
0xc4: {  	v8 =	vld.idx.msk [tilespmem:v6+s28+$0x0], $0xffff;
	s5 =	sadd.s32 $0xFFFFFFFF, s5;
	s4 =	sadd.s32 $0x10, s4;
	p3 =	por $0x1, $0x1;
	v6 =	vsel vm1, v9, v4;
	(xrf0) =	vmin.scan.msk.f32 $0xffff, v7  }
0xc5: {  	_ = 	snop  }
0xc6: {  	p0 =	sne.s32 s5, $0x1  }
.Ltmp10:
0xc7: {  	_ = 	snop;
	(pc) =	sbr.rel @!p0 .LBB2_22-.Ltmp10, $4  }
0xc8: {  	_ = 	snop  }
0xc9: {  	v9 =	vadd.s32 s4, v0  }
0xca: {  	vm1 =	vlt.s32 v9, v4;
	v10, _, _ =	vpop (xrf0)  }
0xcb: {  	v7 =	vld.idx.msk [tilespmem:v6+s28+$0x0], $0xffff;
	s5 =	sadd.s32 $0xFFFFFFFF, s5;
	s4 =	sadd.s32 $0x10, s4;
	p4 =	por $0x1, $0x1;
	v6 =	vsel vm1, v9, v4;
	(xrf0) =	vmin.scan.msk.f32 $0xffff, v8;
	(v2sf) =	vpush v10, $0xF  }
0xcc: {  	_ =	sdelay $0x4  }
0xcd: {  	v10, _, _ =	vpop (xrf0)  }
0xce: {  	(v2sf) =	vpush v10, $0xF;
	_ =	sdelay $0x3  }
0xcf: {  	p0 =	sne.s32 s5, $0x1  }
.Ltmp11:
0xd0: {  	_ = 	snop;
	(pc) =	sbr.rel @!p0 .LBB2_24-.Ltmp11, $4  }
0xd1: {  	_ = 	snop  }
0xd2: {  	v9 =	vadd.s32 s4, v0  }
0xd3: {  	vm1 =	vlt.s32 v9, v4  }
0xd4: {  	v8 =	vld.idx.msk [tilespmem:v6+s28+$0x0], $0xffff;
	s5 =	sadd.s32 $0xFFFFFFFF, s5;
	s4 =	sadd.s32 $0x10, s4;
	p5 =	por $0x1, $0x1;
	v6 =	vsel vm1, v9, v4;
	(xrf0) =	vmin.scan.msk.f32 $0xffff, v7  }
0xd5: {  	_ =	sdelay $0x4  }
0xd6: {  	v10, _, _ =	vpop (xrf0)  }
0xd7: {  	(v2sf) =	vpush v10, $0xF;
	_ =	sdelay $0x2  }
0xd8: {  	v9 =	vadd.s32 s4, v0;
	p0 =	sne.s32 s5, $0x1  }
.Ltmp12:
0xd9: {  	vm1 =	vlt.s32 v9, v4;
	(xrf0) =	vmin.scan.msk.f32 $0xffff, v8;
	(pc) =	sbr.rel @!p0 .LBB2_26-.Ltmp12, $3  }
0xda: {  	v7 =	vld.idx.msk [tilespmem:v6+s28+$0x0], $0xffff;
	v6 =	vsel vm1, v9, v4;
	_ =	sdelay $0x1  }
0xdb: {  	s6 =	sadd.s32 $0xFFFFFFFF, s5;
	s13 =	sadd.s32 $0x10, s4  }
0xdc: {  	s5 =	spop (v2sf);
	p6 =	por $0x1, $0x1;
	s4 =	simm.f32 $1.000000000e+00  }
.LBB2_27:
0xdd: {  	v8 =	vadd.s32 s13, v0;
	p0 =	sne.s32 s6, $0x1;
	s6 =	sadd.s32 $0xFFFFFFFF, s6;
	s4 =	smin.f32 s4, s5  }
.Ltmp13:
0xde: {  	vm1 =	vlt.s32 v8, v4;
	(xrf0) =	vmin.scan.msk.f32 $0xffff, v7;
	v7 =	vld.idx.msk [tilespmem:v6+s28+$0x0], $0xffff;
	v9, _, _ =	vpop (xrf0);
	(pc) =	sbr.rel @p0 .LBB2_27-.Ltmp13, $2  }
0xdf: {  	v6 =	vsel vm1, v8, v4;
	(v2sf) =	vpush v9, $0xF;
	_ =	sdelay $0x3  }
0xe0: {  	s13 =	sadd.s32 $0x10, s13;
	s5 =	spop (v2sf)  }
0xe1: {  	_ = 	snop  }
.LBB2_29:
0xe2: {  	_ =	sdelay $0x3  }
0xe3: {  	v6 =	vld.idx.msk [tilespmem:v6+s28+$0x0], $0xffff;
	_ =	sdelay $0x1  }
0xe4: {  	(xrf0) =	vmin.scan.msk.f32 @p2 $0xffff, v7;
	_ =	sdelay $0x2  }
0xe5: {  	(xrf0) =	vmin.scan.msk.f32 $0xffff, v6  }
0xe6: {  	v6, _, _ =	vpop @p3 (xrf0)  }
0xe7: {  	(v2sf) =	vpush @p3 v6, $0xF  }
0xe8: {  	v6, _, _ =	vpop @p2 (xrf0)  }
0xe9: {  	(v2sf) =	vpush @p2 v6, $0xF;
	_ =	sdelay $0x1  }
0xea: {  	v6, _, _ =	vpop (xrf0)  }
0xeb: {  	(v2sf) =	vpush v6, $0xF;
	_ =	sdelay $0x5  }
0xec: {  	s6 =	spop @p5 (v2sf);
	s4 =	smin.f32 @p6 s4, s5;
	s5 =	simm.f32 $1.000000000e+00  }
0xed: {  	s5 =	smov.u32 @p6 s4;
	s4 =	smov.u32 @p5 s6  }
0xee: {  	s4 =	smin.f32 @p5 s5, s4;
	s5 =	simm.f32 $1.000000000e+00;
	s6 =	spop @p4 (v2sf)  }
0xef: {  	s5 =	smov.u32 @p5 s4;
	s4 =	smov.u32 @p4 s6  }
0xf0: {  	s6 =	simm.f32 $1.000000000e+00;
	s4 =	smin.f32 @p4 s5, s4;
	s5 =	spop @p3 (v2sf)  }
0xf1: {  	s6 =	smov.u32 @p4 s4;
	s4 =	smov.u32 @p3 s5  }
0xf2: {  	s5 =	spop @p2 (v2sf);
	s4 =	smin.f32 @p3 s6, s4;
	s6 =	simm.f32 $1.000000000e+00  }
0xf3: {  	s6 =	smov.u32 @p3 s4;
	s4 =	smov.u32 @p2 s5  }
0xf4: {  	s4 =	smin.f32 @p2 s6, s4  }
0xf5: {  	s12 =	smov.u32 @p2 s4;
	s17 =	spop (v2sf)  }
0xf6: {  	s4 =	smin.f32 s12, s17  }
0xf7: {  	p0 =	sgt.f32 s4, $0.0e+00  }
.Ltmp14:
0xf8: {  	_ = 	snop;
	(pc) =	sbr.rel @p0 .LBB2_68-.Ltmp14, $1  }
0xf9: {  	_ =	sdelay $0x3  }
0xfa: {  	s4 =	sadd.s32 $0x80000001, s16  }
0xfb: {  	p0 =	sge.s32 s15, s4  }
.Ltmp15:
0xfc: {  	_ = 	snop;
	(pc) =	sbr.rel @p0 .LBB2_33-.Ltmp15, $1  }
0xfd: {  	_ =	sdelay $0x3  }
0xfe: {  	s4 =	smul.u32 $0xFA0, s23;
	_ =	sdelay $0x1  }
0xff: {  	s5 =	ssub.s32 s16, s23;
	s15 =	smul.u32 $0x3E8, s23;
	s4 =	sshra.s32 s4, $0x2  }
0x100: {  	s12 =	sadd.s32 $0x1, s5;
	s16 =	sadd.s32 $0x3F0, s4  }
.LBB2_32:
0x101: {  	s4 =	sshrl.u32 s15, $0x3  }
0x102: {  	s4 =	sadd.s32 s0, s4  }
0x103: {  	[tilespmem:s30], [sflag:$0x2] =	stream.linear.gather [hbm4b:s4+s10], $0x3E8, $0x38;
	[tilespmem:$0x1E800] =	vst v63  }
0x104: {  	_ =	swait.ge [sflag:s29], $0x3E8  }
0x105: {  	[sflag:s29] =	ssyncset.done $0x0  }
0x106: {  	[sflag:s29] =	ssyncadd.s32 $0xFFFFFC18  }
0x107: {  	v6 =	vld [tilespmem:$0x18900];
	_ =	sdelay $0x7  }
0x108: {  	v6 =	vld.idx.msk [tilespmem:v6+s10+$0x0], $0xffff;
	_ =	sdelay $0x4  }
0x109: {  	[tilespmem:s16+$0xFFFFFE10] =	vst v6  }
0x10a: {  	v6 =	vld [tilespmem:$0x18910];
	_ =	sdelay $0x7  }
0x10b: {  	v6 =	vld.idx.msk [tilespmem:v6+s10+$0x0], $0xffff;
	_ =	sdelay $0x4  }
0x10c: {  	[tilespmem:s16+$0xFFFFFE20] =	vst v6  }
0x10d: {  	v6 =	vld [tilespmem:$0x18920];
	_ =	sdelay $0x7  }
0x10e: {  	v6 =	vld.idx.msk [tilespmem:v6+s10+$0x0], $0xffff;
	_ =	sdelay $0x4  }
0x10f: {  	[tilespmem:s16+$0xFFFFFE30] =	vst v6  }
0x110: {  	v6 =	vld [tilespmem:$0x18930];
	_ =	sdelay $0x7  }
0x111: {  	v6 =	vld.idx.msk [tilespmem:v6+s10+$0x0], $0xffff;
	_ =	sdelay $0x4  }
0x112: {  	[tilespmem:s16+$0xFFFFFE40] =	vst v6  }
0x113: {  	v6 =	vld [tilespmem:$0x18940];
	_ =	sdelay $0x7  }
0x114: {  	v6 =	vld.idx.msk [tilespmem:v6+s10+$0x0], $0xffff;
	_ =	sdelay $0x4  }
0x115: {  	[tilespmem:s16+$0xFFFFFE50] =	vst v6  }
0x116: {  	v6 =	vld [tilespmem:$0x18950];
	_ =	sdelay $0x7  }
0x117: {  	v6 =	vld.idx.msk [tilespmem:v6+s10+$0x0], $0xffff;
	_ =	sdelay $0x4  }
0x118: {  	[tilespmem:s16+$0xFFFFFE60] =	vst v6  }
0x119: {  	v6 =	vld [tilespmem:$0x18960];
	_ =	sdelay $0x7  }
0x11a: {  	v6 =	vld.idx.msk [tilespmem:v6+s10+$0x0], $0xffff;
	_ =	sdelay $0x4  }
0x11b: {  	[tilespmem:s16+$0xFFFFFE70] =	vst v6  }
0x11c: {  	v6 =	vld [tilespmem:$0x18970];
	_ =	sdelay $0x7  }
0x11d: {  	v6 =	vld.idx.msk [tilespmem:v6+s10+$0x0], $0xffff;
	_ =	sdelay $0x4  }
0x11e: {  	[tilespmem:s16+$0xFFFFFE80] =	vst v6  }
0x11f: {  	v6 =	vld [tilespmem:$0x18980];
	_ =	sdelay $0x7  }
0x120: {  	v6 =	vld.idx.msk [tilespmem:v6+s10+$0x0], $0xffff;
	_ =	sdelay $0x4  }
0x121: {  	[tilespmem:s16+$0xFFFFFE90] =	vst v6  }
0x122: {  	v6 =	vld [tilespmem:$0x18990];
	_ =	sdelay $0x7  }
0x123: {  	v6 =	vld.idx.msk [tilespmem:v6+s10+$0x0], $0xffff;
	_ =	sdelay $0x4  }
0x124: {  	[tilespmem:s16+$0xFFFFFEA0] =	vst v6  }
0x125: {  	v6 =	vld [tilespmem:$0x189A0];
	_ =	sdelay $0x7  }
0x126: {  	v6 =	vld.idx.msk [tilespmem:v6+s10+$0x0], $0xffff;
	_ =	sdelay $0x4  }
0x127: {  	[tilespmem:s16+$0xFFFFFEB0] =	vst v6  }
0x128: {  	v6 =	vld [tilespmem:$0x189B0];
	_ =	sdelay $0x7  }
0x129: {  	v6 =	vld.idx.msk [tilespmem:v6+s10+$0x0], $0xffff;
	_ =	sdelay $0x4  }
0x12a: {  	[tilespmem:s16+$0xFFFFFEC0] =	vst v6  }
0x12b: {  	v6 =	vld [tilespmem:$0x189C0];
	_ =	sdelay $0x7  }
0x12c: {  	v6 =	vld.idx.msk [tilespmem:v6+s10+$0x0], $0xffff;
	_ =	sdelay $0x4  }
0x12d: {  	[tilespmem:s16+$0xFFFFFED0] =	vst v6  }
0x12e: {  	v6 =	vld [tilespmem:$0x189D0];
	_ =	sdelay $0x7  }
0x12f: {  	v6 =	vld.idx.msk [tilespmem:v6+s10+$0x0], $0xffff;
	_ =	sdelay $0x4  }
0x130: {  	[tilespmem:s16+$0xFFFFFEE0] =	vst v6  }
0x131: {  	v6 =	vld [tilespmem:$0x189E0];
	_ =	sdelay $0x7  }
0x132: {  	v6 =	vld.idx.msk [tilespmem:v6+s10+$0x0], $0xffff;
	_ =	sdelay $0x4  }
0x133: {  	[tilespmem:s16+$0xFFFFFEF0] =	vst v6  }
0x134: {  	v6 =	vld [tilespmem:$0x189F0];
	_ =	sdelay $0x7  }
0x135: {  	v6 =	vld.idx.msk [tilespmem:v6+s10+$0x0], $0xffff;
	_ =	sdelay $0x4  }
0x136: {  	[tilespmem:s16+$0xFFFFFF00] =	vst v6  }
0x137: {  	v6 =	vld [tilespmem:$0x18A00];
	_ =	sdelay $0x7  }
0x138: {  	v6 =	vld.idx.msk [tilespmem:v6+s10+$0x0], $0xffff;
	_ =	sdelay $0x4  }
0x139: {  	[tilespmem:s16+$0xFFFFFF10] =	vst v6  }
0x13a: {  	v6 =	vld [tilespmem:$0x18A10];
	_ =	sdelay $0x7  }
0x13b: {  	v6 =	vld.idx.msk [tilespmem:v6+s10+$0x0], $0xffff;
	_ =	sdelay $0x4  }
0x13c: {  	[tilespmem:s16+$0xFFFFFF20] =	vst v6  }
0x13d: {  	v6 =	vld [tilespmem:$0x18A20];
	_ =	sdelay $0x7  }
0x13e: {  	v6 =	vld.idx.msk [tilespmem:v6+s10+$0x0], $0xffff;
	_ =	sdelay $0x4  }
0x13f: {  	[tilespmem:s16+$0xFFFFFF30] =	vst v6  }
0x140: {  	v6 =	vld [tilespmem:$0x18A30];
	_ =	sdelay $0x7  }
0x141: {  	v6 =	vld.idx.msk [tilespmem:v6+s10+$0x0], $0xffff;
	_ =	sdelay $0x4  }
0x142: {  	[tilespmem:s16+$0xFFFFFF40] =	vst v6  }
0x143: {  	v6 =	vld [tilespmem:$0x18A40];
	_ =	sdelay $0x7  }
0x144: {  	v6 =	vld.idx.msk [tilespmem:v6+s10+$0x0], $0xffff;
	_ =	sdelay $0x4  }
0x145: {  	[tilespmem:s16+$0xFFFFFF50] =	vst v6  }
0x146: {  	v6 =	vld [tilespmem:$0x18A50];
	_ =	sdelay $0x7  }
0x147: {  	v6 =	vld.idx.msk [tilespmem:v6+s10+$0x0], $0xffff;
	_ =	sdelay $0x4  }
0x148: {  	[tilespmem:s16+$0xFFFFFF60] =	vst v6  }
0x149: {  	v6 =	vld [tilespmem:$0x18A60];
	_ =	sdelay $0x7  }
0x14a: {  	v6 =	vld.idx.msk [tilespmem:v6+s10+$0x0], $0xffff;
	_ =	sdelay $0x4  }
0x14b: {  	[tilespmem:s16+$0xFFFFFF70] =	vst v6  }
0x14c: {  	v6 =	vld [tilespmem:$0x18A70];
	_ =	sdelay $0x7  }
0x14d: {  	v6 =	vld.idx.msk [tilespmem:v6+s10+$0x0], $0xffff;
	_ =	sdelay $0x4  }
0x14e: {  	[tilespmem:s16+$0xFFFFFF80] =	vst v6  }
0x14f: {  	v6 =	vld [tilespmem:$0x18A80];
	_ =	sdelay $0x7  }
0x150: {  	v6 =	vld.idx.msk [tilespmem:v6+s10+$0x0], $0xffff;
	_ =	sdelay $0x4  }
0x151: {  	[tilespmem:s16+$0xFFFFFF90] =	vst v6  }
0x152: {  	v6 =	vld [tilespmem:$0x18A90];
	_ =	sdelay $0x7  }
0x153: {  	v6 =	vld.idx.msk [tilespmem:v6+s10+$0x0], $0xffff;
	_ =	sdelay $0x4  }
0x154: {  	[tilespmem:s16+$0xFFFFFFA0] =	vst v6  }
0x155: {  	v6 =	vld [tilespmem:$0x18AA0];
	_ =	sdelay $0x7  }
0x156: {  	v6 =	vld.idx.msk [tilespmem:v6+s10+$0x0], $0xffff;
	_ =	sdelay $0x4  }
0x157: {  	[tilespmem:s16+$0xFFFFFFB0] =	vst v6  }
0x158: {  	v6 =	vld [tilespmem:$0x18AB0];
	_ =	sdelay $0x7  }
0x159: {  	v6 =	vld.idx.msk [tilespmem:v6+s10+$0x0], $0xffff;
	_ =	sdelay $0x4  }
0x15a: {  	[tilespmem:s16+$0xFFFFFFC0] =	vst v6  }
0x15b: {  	v6 =	vld [tilespmem:$0x18AC0];
	_ =	sdelay $0x7  }
0x15c: {  	v6 =	vld.idx.msk [tilespmem:v6+s10+$0x0], $0xffff;
	_ =	sdelay $0x4  }
0x15d: {  	[tilespmem:s16+$0xFFFFFFD0] =	vst v6  }
0x15e: {  	v6 =	vld [tilespmem:$0x18AD0];
	_ =	sdelay $0x7  }
0x15f: {  	v6 =	vld.idx.msk [tilespmem:v6+s10+$0x0], $0xffff;
	_ =	sdelay $0x4  }
0x160: {  	[tilespmem:s16+$0xFFFFFFE0] =	vst v6  }
0x161: {  	v6 =	vld [tilespmem:$0x18AE0];
	_ =	sdelay $0x7  }
0x162: {  	v6 =	vld.idx.msk [tilespmem:v6+s10+$0x0], $0xffff;
	_ =	sdelay $0x4  }
0x163: {  	[tilespmem:s16+$0xFFFFFFF0] =	vst v6  }
0x164: {  	v6 =	vld [tilespmem:$0x18AF0];
	_ =	sdelay $0x7  }
0x165: {  	v6 =	vld.idx.msk [tilespmem:v6+s10+$0x0], $0xffff;
	_ =	sdelay $0x4  }
0x166: {  	[tilespmem:s16+$0x0] =	vst v6  }
0x167: {  	v6 =	vld [tilespmem:$0x18B00];
	_ =	sdelay $0x7  }
0x168: {  	v6 =	vld.idx.msk [tilespmem:v6+s10+$0x0], $0xffff;
	_ =	sdelay $0x4  }
0x169: {  	[tilespmem:s16+$0x10] =	vst v6  }
0x16a: {  	v6 =	vld [tilespmem:$0x18B10];
	_ =	sdelay $0x7  }
0x16b: {  	v6 =	vld.idx.msk [tilespmem:v6+s10+$0x0], $0xffff;
	_ =	sdelay $0x4  }
0x16c: {  	[tilespmem:s16+$0x20] =	vst v6  }
0x16d: {  	v6 =	vld [tilespmem:$0x18B20];
	_ =	sdelay $0x7  }
0x16e: {  	v6 =	vld.idx.msk [tilespmem:v6+s10+$0x0], $0xffff;
	_ =	sdelay $0x4  }
0x16f: {  	[tilespmem:s16+$0x30] =	vst v6  }
0x170: {  	v6 =	vld [tilespmem:$0x18B30];
	_ =	sdelay $0x7  }
0x171: {  	v6 =	vld.idx.msk [tilespmem:v6+s10+$0x0], $0xffff;
	_ =	sdelay $0x4  }
0x172: {  	[tilespmem:s16+$0x40] =	vst v6  }
0x173: {  	v6 =	vld [tilespmem:$0x18B40];
	_ =	sdelay $0x7  }
0x174: {  	v6 =	vld.idx.msk [tilespmem:v6+s10+$0x0], $0xffff;
	_ =	sdelay $0x4  }
0x175: {  	[tilespmem:s16+$0x50] =	vst v6  }
0x176: {  	v6 =	vld [tilespmem:$0x18B50];
	_ =	sdelay $0x7  }
0x177: {  	v6 =	vld.idx.msk [tilespmem:v6+s10+$0x0], $0xffff;
	_ =	sdelay $0x4  }
0x178: {  	[tilespmem:s16+$0x60] =	vst v6  }
0x179: {  	v6 =	vld [tilespmem:$0x18B60];
	_ =	sdelay $0x7  }
0x17a: {  	v6 =	vld.idx.msk [tilespmem:v6+s10+$0x0], $0xffff;
	_ =	sdelay $0x4  }
0x17b: {  	[tilespmem:s16+$0x70] =	vst v6  }
0x17c: {  	v6 =	vld [tilespmem:$0x18B70];
	_ =	sdelay $0x7  }
0x17d: {  	v6 =	vld.idx.msk [tilespmem:v6+s10+$0x0], $0xffff;
	_ =	sdelay $0x4  }
0x17e: {  	[tilespmem:s16+$0x80] =	vst v6  }
0x17f: {  	v6 =	vld [tilespmem:$0x18B80];
	_ =	sdelay $0x7  }
0x180: {  	v6 =	vld.idx.msk [tilespmem:v6+s10+$0x0], $0xffff;
	_ =	sdelay $0x4  }
0x181: {  	[tilespmem:s16+$0x90] =	vst v6  }
0x182: {  	v6 =	vld [tilespmem:$0x18B90];
	_ =	sdelay $0x7  }
0x183: {  	v6 =	vld.idx.msk [tilespmem:v6+s10+$0x0], $0xffff;
	_ =	sdelay $0x4  }
0x184: {  	[tilespmem:s16+$0xA0] =	vst v6  }
0x185: {  	v6 =	vld [tilespmem:$0x18BA0];
	_ =	sdelay $0x7  }
0x186: {  	v6 =	vld.idx.msk [tilespmem:v6+s10+$0x0], $0xffff;
	_ =	sdelay $0x4  }
0x187: {  	[tilespmem:s16+$0xB0] =	vst v6  }
0x188: {  	v6 =	vld [tilespmem:$0x18BB0];
	_ =	sdelay $0x7  }
0x189: {  	v6 =	vld.idx.msk [tilespmem:v6+s10+$0x0], $0xffff;
	_ =	sdelay $0x4  }
0x18a: {  	[tilespmem:s16+$0xC0] =	vst v6  }
0x18b: {  	v6 =	vld [tilespmem:$0x18BC0];
	_ =	sdelay $0x7  }
0x18c: {  	v6 =	vld.idx.msk [tilespmem:v6+s10+$0x0], $0xffff;
	_ =	sdelay $0x4  }
0x18d: {  	[tilespmem:s16+$0xD0] =	vst v6  }
0x18e: {  	v6 =	vld [tilespmem:$0x18BD0];
	_ =	sdelay $0x7  }
0x18f: {  	v6 =	vld.idx.msk [tilespmem:v6+s10+$0x0], $0xffff;
	_ =	sdelay $0x4  }
0x190: {  	[tilespmem:s16+$0xE0] =	vst v6  }
0x191: {  	v6 =	vld [tilespmem:$0x18BE0];
	_ =	sdelay $0x7  }
0x192: {  	v6 =	vld.idx.msk [tilespmem:v6+s10+$0x0], $0xffff;
	_ =	sdelay $0x4  }
0x193: {  	[tilespmem:s16+$0xF0] =	vst v6  }
0x194: {  	v6 =	vld [tilespmem:$0x18BF0];
	_ =	sdelay $0x7  }
0x195: {  	v6 =	vld.idx.msk [tilespmem:v6+s10+$0x0], $0xffff;
	_ =	sdelay $0x4  }
0x196: {  	[tilespmem:s16+$0x100] =	vst v6  }
0x197: {  	v6 =	vld [tilespmem:$0x18C00];
	_ =	sdelay $0x7  }
0x198: {  	v6 =	vld.idx.msk [tilespmem:v6+s10+$0x0], $0xffff;
	_ =	sdelay $0x4  }
0x199: {  	[tilespmem:s16+$0x110] =	vst v6  }
0x19a: {  	v6 =	vld [tilespmem:$0x18C10];
	_ =	sdelay $0x7  }
0x19b: {  	v6 =	vld.idx.msk [tilespmem:v6+s10+$0x0], $0xffff;
	_ =	sdelay $0x4  }
0x19c: {  	[tilespmem:s16+$0x120] =	vst v6  }
0x19d: {  	v6 =	vld [tilespmem:$0x18C20];
	_ =	sdelay $0x7  }
0x19e: {  	v6 =	vld.idx.msk [tilespmem:v6+s10+$0x0], $0xffff;
	_ =	sdelay $0x4  }
0x19f: {  	[tilespmem:s16+$0x130] =	vst v6  }
0x1a0: {  	v6 =	vld [tilespmem:$0x18C30];
	_ =	sdelay $0x7  }
0x1a1: {  	v6 =	vld.idx.msk [tilespmem:v6+s10+$0x0], $0xffff;
	_ =	sdelay $0x4  }
0x1a2: {  	[tilespmem:s16+$0x140] =	vst v6  }
0x1a3: {  	v6 =	vld [tilespmem:$0x18C40];
	_ =	sdelay $0x7  }
0x1a4: {  	v6 =	vld.idx.msk [tilespmem:v6+s10+$0x0], $0xffff;
	_ =	sdelay $0x4  }
0x1a5: {  	[tilespmem:s16+$0x150] =	vst v6  }
0x1a6: {  	v6 =	vld [tilespmem:$0x18C50];
	_ =	sdelay $0x7  }
0x1a7: {  	v6 =	vld.idx.msk [tilespmem:v6+s10+$0x0], $0xffff;
	_ =	sdelay $0x4  }
0x1a8: {  	[tilespmem:s16+$0x160] =	vst v6  }
0x1a9: {  	v6 =	vld [tilespmem:$0x18C60];
	_ =	sdelay $0x7  }
0x1aa: {  	v6 =	vld.idx.msk [tilespmem:v6+s10+$0x0], $0xffff;
	_ =	sdelay $0x4  }
0x1ab: {  	[tilespmem:s16+$0x170] =	vst v6  }
0x1ac: {  	v6 =	vld [tilespmem:$0x18C70];
	_ =	sdelay $0x7  }
0x1ad: {  	v6 =	vld.idx.msk [tilespmem:v6+s10+$0x0], $0xffff;
	_ =	sdelay $0x4  }
0x1ae: {  	[tilespmem:s16+$0x180] =	vst v6  }
0x1af: {  	v6 =	vld [tilespmem:$0x18C80];
	_ =	sdelay $0x7  }
0x1b0: {  	v6 =	vld.idx.msk [tilespmem:v6+s10+$0x0], $0xffff;
	_ =	sdelay $0x4  }
0x1b1: {  	[tilespmem:s16+$0x190] =	vst v6  }
0x1b2: {  	v6 =	vld [tilespmem:$0x18C90];
	_ =	sdelay $0x7  }
0x1b3: {  	v6 =	vld.idx.msk [tilespmem:v6+s10+$0x0], $0xffff;
	_ =	sdelay $0x4  }
0x1b4: {  	[tilespmem:s16+$0x1A0] =	vst v6  }
0x1b5: {  	v6 =	vld [tilespmem:$0x18CA0];
	_ =	sdelay $0x7  }
0x1b6: {  	v6 =	vld.idx.msk [tilespmem:v6+s10+$0x0], $0xffff;
	_ =	sdelay $0x4  }
0x1b7: {  	[tilespmem:s16+$0x1B0] =	vst v6  }
0x1b8: {  	v6 =	vld [tilespmem:$0x18CB0];
	_ =	sdelay $0x7  }
0x1b9: {  	v6 =	vld.idx.msk [tilespmem:v6+s10+$0x0], $0xffff;
	_ =	sdelay $0x4  }
0x1ba: {  	[tilespmem:s16+$0x1C0] =	vst v6  }
0x1bb: {  	v6 =	vld [tilespmem:$0x18CC0];
	_ =	sdelay $0x7  }
0x1bc: {  	v6 =	vld.idx.msk [tilespmem:v6+s10+$0x0], $0xffff;
	_ =	sdelay $0x4  }
0x1bd: {  	[tilespmem:s16+$0x1D0] =	vst v6  }
0x1be: {  	v6 =	vld [tilespmem:$0x18CD0];
	_ =	sdelay $0x7  }
0x1bf: {  	v6 =	vld.idx.msk [tilespmem:v6+s10+$0x0], $0xffff;
	_ =	sdelay $0x4  }
0x1c0: {  	[tilespmem:s16+$0x1E0] =	vst v6  }
0x1c1: {  	v6 =	vld [tilespmem:$0x18CE0];
	_ =	sdelay $0x7  }
0x1c2: {  	p0 =	seq.s32 s12, $0x1;
	v6 =	vld.idx.msk [tilespmem:v6+s10+$0x0], $0xffff  }
.Ltmp16:
0x1c3: {  	_ = 	snop;
	(pc) =	sbr.rel @!p0 .LBB2_32-.Ltmp16, $2  }
0x1c4: {  	_ =	sdelay $0x2  }
0x1c5: {  	s15 =	sadd.s32 $0x3E8, s15;
	s12 =	sadd.s32 $0xFFFFFFFF, s12;
	[tilespmem:s16+$0x1F0] =	vst v6;
	s16 =	sadd.s32 $0x3E8, s16  }
.LBB2_33:
.Ltmp17:
0x1c6: {  	(pc) =	sbr.rel .LBB2_34-.Ltmp17, $2  }
0x1c7: {  	_ =	sdelay $0x2  }
0x1c8: {  	s15 =	simm.s32 $0x0  }
.LBB2_6:
0x1c9: {  	s4 =	smul.u32 $0xFA0, s23;
	_ =	sdelay $0x1  }
0x1ca: {  	s4 =	sshra.s32 s4, $0x2  }
0x1cb: {  	s19 =	sadd.s32 $0x80000001, s16;
	s17 =	smov.u32 s15;
	s12 =	sadd.s32 $0x1A8B0, s4  }
.LBB2_7:
0x1cc: {  	s18 =	sadd.s32 $0x8, s17  }
0x1cd: {  	s8 =	smov.u32 s19;
	p0 =	slt.s32 s18, s19  }
0x1ce: {  	s8 =	smov.u32 @p0 s18  }
0x1cf: {  	p0 =	sge.s32 s17, s8  }
.Ltmp18:
0x1d0: {  	_ = 	snop;
	(pc) =	sbr.rel @p0 .LBB2_12-.Ltmp18, $1  }
0x1d1: {  	_ =	sdelay $0x3  }
0x1d2: {  	p0 =	sgt.s32 s17, $0x0;
	s4 =	smov.u32 s17  }
0x1d3: {  	s4 =	simm.s32 @!p0 $0x0  }
0x1d4: {  	s4 =	smin.u32 s4, $0x5C  }
0x1d5: {  	s4 =	smul.u32 $0xFFFFF060, s4;
	_ =	sdelay $0x1  }
0x1d6: {  	s4 =	sshra.s32 s4, $0x2  }
0x1d7: {  	s13 =	sadd.s32 s4, s12  }
.LBB2_9:
0x1d8: {  	s4 =	simm.s32 $0x0;
	v4 =	vld [tilespmem:s13+$0xFFFFFFD0]  }
0x1d9: {  	v5 =	vmov s4  }
0x1da: {  	v6 =	vld [tilespmem:s13+$0xFFFFFFE0];
	s6 =	simm.s32 $0x10;
	vm0 =	vlt.u32 v5, v3  }
0x1db: {  	v5 =	vmov s6  }
0x1dc: {  	v7 =	vld [tilespmem:s13+$0xFFFFFFF0];
	s24 =	simm.s32 $0x20;
	vm1 =	vlt.u32 v5, v3  }
0x1dd: {  	v8 =	vld [tilespmem:s13+$0x0];
	v5 =	vmov s24  }
0x1de: {  	s5 =	simm.s32 $0x30;
	v9 =	vld [tilespmem:s13+$0x10];
	vm2 =	vlt.u32 v5, v3  }
0x1df: {  	v10 =	vld [tilespmem:s13+$0x20];
	s6 =	simm.s32 $0x40;
	v5 =	vmov s5  }
0x1e0: {  	vm4 =	vlt.u32 v5, v3;
	v5 =	vmov s6;
	v4 =	vld.idx.msk [tilespmem:v4+s20+$0x0], vm0  }
0x1e1: {  	v11 =	vld [tilespmem:s13+$0x30];
	s24 =	simm.s32 $0x50;
	vm3 =	vlt.u32 v5, v3  }
0x1e2: {  	s5 =	simm.s32 $0x60;
	s6 =	sadd.s32 $0x70, s13;
	v5 =	vmov s24;
	v6 =	vld.idx.msk [tilespmem:v6+s20+$0x0], vm1  }
0x1e3: {  	v12 =	vld [tilespmem:s6+$0xFFFFFFD0];
	vm5 =	vlt.u32 v5, v3;
	v5 =	vmov s5  }
0x1e4: {  	vm6 =	vlt.u32 v5, v3;
	v7 =	vld.idx.msk [tilespmem:v7+s20+$0x0], vm2  }
0x1e5: {  	s4 =	simm.s32 $0x70;
	v14 =	vld [tilespmem:s6+$0xFFFFFFE0];
	v5 =	vimm.f32 $0.0e+00;
	v4 =	vnsel vm0, $0x0, v4  }
0x1e6: {  	v13 =	vmov s4;
	v8 =	vld.idx.msk [tilespmem:v8+s20+$0x0], vm4;
	v4 =	vadd.f32 v4, v5  }
0x1e7: {  	s5 =	simm.s32 $0x80;
	v9 =	vld.idx.msk [tilespmem:v9+s20+$0x0], vm3;
	vm0 =	vlt.u32 v13, v3;
	v5 =	vnsel vm1, $0x0, v6  }
0x1e8: {  	v13 =	vld [tilespmem:s6+$0xFFFFFFF0];
	v6 =	vmov s5;
	v4 =	vadd.f32 v5, v4  }
0x1e9: {  	s24 =	simm.s32 $0x90;
	v10 =	vld.idx.msk [tilespmem:v10+s20+$0x0], vm5;
	vm1 =	vlt.u32 v6, v3;
	v6 =	vnsel vm2, $0x0, v7  }
0x1ea: {  	v15 =	vld.idx.msk [tilespmem:v11+s20+$0x0], vm6;
	v7 =	vmov s24;
	v6 =	vadd.f32 v6, v4  }
0x1eb: {  	s24 =	simm.s32 $0xA0;
	v5 =	vld [tilespmem:s6+$0x0];
	vm2 =	vlt.u32 v7, v3;
	v7 =	vnsel vm4, $0x0, v8  }
0x1ec: {  	v11 =	vmov s24;
	v4 =	vld [tilespmem:s6+$0x10];
	v7 =	vadd.f32 v7, v6  }
0x1ed: {  	s24 =	simm.s32 $0xB0;
	v9 =	vnsel vm3, $0x0, v9;
	vm3 =	vlt.u32 v11, v3;
	v8 =	vld.idx.msk [tilespmem:v12+s20+$0x0], vm0  }
0x1ee: {  	v11 =	vmov s24;
	v6 =	vld [tilespmem:s6+$0x20];
	v12 =	vadd.f32 v9, v7  }
0x1ef: {  	s24 =	simm.s32 $0xC0;
	vm4 =	vlt.u32 v11, v3;
	v10 =	vnsel vm5, $0x0, v10;
	v9 =	vld.idx.msk [tilespmem:v14+s20+$0x0], vm1  }
0x1f0: {  	v14 =	vmov s24;
	v7 =	vld [tilespmem:s6+$0x30];
	v11 =	vadd.f32 v10, v12  }
0x1f1: {  	s5 =	simm.s32 $0x7;
	s24 =	simm.s32 $0xD0;
	s6 =	sadd.s32 $0x70, s6;
	vm5 =	vlt.u32 v14, v3;
	v10 =	vld.idx.msk [tilespmem:v13+s20+$0x0], vm2;
	v12 =	vnsel vm6, $0x0, v15  }
.LBB2_10:
0x1f2: {  	v13 =	vld [tilespmem:s6+$0xFFFFFFD0];
	v14 =	vmov s24;
	v11 =	vadd.f32 v12, v11  }
0x1f3: {  	s5 =	sadd.s32 $0x7, s5;
	v8 =	vnsel vm0, $0x0, v8;
	s4 =	sadd.s32 $0x70, s4;
	v12 =	vld.idx.msk [tilespmem:v5+s20+$0x0], vm3;
	vm6 =	vlt.u32 v14, v3  }
0x1f4: {  	v5 =	vmov s4;
	p0 =	slt.u32 s5, $0x38;
	v14 =	vld [tilespmem:s6+$0xFFFFFFE0];
	v8 =	vadd.f32 v8, v11  }
0x1f5: {  	s24 =	sadd.s32 $0x10, s4;
	vm0 =	vlt.u32 v5, v3;
	v5 =	vnsel vm1, $0x0, v9;
	v9 =	vld.idx.msk [tilespmem:v4+s20+$0x0], vm4  }
0x1f6: {  	v4 =	vmov s24;
	v15 =	vld [tilespmem:s6+$0xFFFFFFF0];
	v8 =	vadd.f32 v5, v8  }
0x1f7: {  	s24 =	sadd.s32 $0x20, s4;
	vm1 =	vlt.u32 v4, v3;
	v4 =	vnsel vm2, $0x0, v10;
	v10 =	vld.idx.msk [tilespmem:v6+s20+$0x0], vm5  }
0x1f8: {  	v6 =	vmov s24;
	v5 =	vld [tilespmem:s6+$0x0];
	v8 =	vadd.f32 v4, v8  }
0x1f9: {  	s24 =	sadd.s32 $0x30, s4;
	vm2 =	vlt.u32 v6, v3;
	v6 =	vnsel vm3, $0x0, v12;
	v12 =	vld.idx.msk [tilespmem:v7+s20+$0x0], vm6  }
0x1fa: {  	v7 =	vmov s24;
	v4 =	vld [tilespmem:s6+$0x10];
	v11 =	vadd.f32 v6, v8  }
.Ltmp19:
0x1fb: {  	s24 =	sadd.s32 $0x40, s4;
	vm3 =	vlt.u32 v7, v3;
	v7 =	vnsel vm4, $0x0, v9;
	v8 =	vld.idx.msk [tilespmem:v13+s20+$0x0], vm0;
	(pc) =	sbr.rel @p0 .LBB2_10-.Ltmp19, $4  }
0x1fc: {  	v13 =	vmov s24;
	v6 =	vld [tilespmem:s6+$0x20];
	v11 =	vadd.f32 v7, v11  }
0x1fd: {  	s24 =	sadd.s32 $0x50, s4;
	vm4 =	vlt.u32 v13, v3;
	v10 =	vnsel vm5, $0x0, v10;
	v9 =	vld.idx.msk [tilespmem:v14+s20+$0x0], vm1  }
0x1fe: {  	v13 =	vmov s24;
	v7 =	vld [tilespmem:s6+$0x30];
	v11 =	vadd.f32 v10, v11  }
0x1ff: {  	s24 =	sadd.s32 $0x60, s4;
	vm5 =	vlt.u32 v13, v3;
	s6 =	sadd.s32 $0x70, s6;
	v12 =	vnsel vm6, $0x0, v12;
	v10 =	vld.idx.msk [tilespmem:v15+s20+$0x0], vm2  }
0x200: {  	_ =	sdelay $0x2  }
0x201: {  	v11 =	vadd.f32 v12, v11  }
0x202: {  	v61 =	vmov s24;
	v8 =	vnsel vm0, $0x0, v8  }
0x203: {  	v5 =	vld.idx.msk [tilespmem:v5+s20+$0x0], vm3;
	vm14 =	vlt.u32 v61, v3;
	v8 =	vadd.f32 v8, v11  }
0x204: {  	v9 =	vnsel vm1, $0x0, v9  }
0x205: {  	v4 =	vld.idx.msk [tilespmem:v4+s20+$0x0], vm4;
	v8 =	vadd.f32 v9, v8  }
0x206: {  	v62 =	vnsel vm2, $0x0, v10  }
0x207: {  	v6 =	vld.idx.msk [tilespmem:v6+s20+$0x0], vm5;
	v8 =	vadd.f32 v62, v8  }
0x208: {  	v5 =	vnsel vm3, $0x0, v5  }
0x209: {  	v7 =	vld.idx.msk [tilespmem:v7+s20+$0x0], vm14;
	v5 =	vadd.f32 v5, v8  }
0x20a: {  	v4 =	vnsel vm4, $0x0, v4  }
0x20b: {  	v4 =	vadd.f32 v4, v5  }
0x20c: {  	v5 =	vnsel vm5, $0x0, v6  }
0x20d: {  	v4 =	vadd.f32 v5, v4  }
0x20e: {  	v5 =	vnsel vm14, $0x0, v7  }
0x20f: {  	v4 =	vadd.f32 v5, v4;
	_ =	sdelay $0x1  }
0x210: {  	(xrf2) =	vadd.scan.msk.f32 $0xffff, v4;
	_ =	sdelay $0x2  }
0x211: {  	v4 =	vmov s17;
	_ =	sdelay $0x4  }
0x212: {  	v5 =	vld.idx.msk [tilespmem:v4+s21+$0x0], $0xffff  }
0x213: {  	s17 =	sadd.s32 $0x1, s17  }
0x214: {  	p0 =	slt.s32 s17, s8;
	v63, _, _ =	vpop (xrf2)  }
.Ltmp20:
0x215: {  	v6 =	vbroadcast v63, $0xF;
	(pc) =	sbr.rel @p0 .LBB2_9-.Ltmp20, $4  }
0x216: {  	_ = 	snop  }
0x217: {  	vm15 =	vge.f32 v5, v6  }
0x218: {  	v5 =	vsel vm15, $0x3F800000, v1  }
0x219: {  	s13 =	sadd.s32 $0x3E8, s13;
	[tilespmem:v4+s28+$0x0] =	vst.idx.msk $0x1, v5  }
.LBB2_12:
0x21a: {  	p0 =	sgt.s32 s18, s7  }
.Ltmp21:
0x21b: {  	_ = 	snop;
	(pc) =	sbr.rel @p0 .LBB2_14-.Ltmp21, $1  }
0x21c: {  	_ =	sdelay $0x3  }
0x21d: {  	p0 =	sgt.s32 s18, $0x0;
	s4 =	smov.u32 s18  }
0x21e: {  	s4 =	simm.s32 @!p0 $0x0  }
0x21f: {  	s4 =	smin.u32 s4, $0x5C  }
0x220: {  	s4 =	smul.u32 $0x7D, s4;
	_ =	sdelay $0x1  }
.Ltmp22:
0x221: {  	s4 =	sadd.s32 s0, s4;
	(pc) =	sbr.rel .LBB2_7-.Ltmp22, $4  }
0x222: {  	[tilespmem:s26], [sflag:$0x2] =	stream.linear.gather [hbm4b:s4+s10], $0x1F40, $0x38;
	[tilespmem:$0x1E800] =	vst v63  }
0x223: {  	_ =	swait.ge [sflag:s29], $0x1F40  }
0x224: {  	[sflag:s29] =	ssyncset.done $0x0  }
0x225: {  	s12 =	sadd.s32 $0x1F40, s12;
	s17 =	smov.u32 s18;
	[sflag:s29] =	ssyncadd.s32 $0xFFFFE0C0  }
.LBB2_53:
0x226: {  	s4 =	simm.f32 $1.000000000e+00  }
.LBB2_66:
0x227: {  	_ =	sdelay $0x3  }
0x228: {  	v6 =	vld.idx.msk [tilespmem:v6+s28+$0x0], $0xffff;
	_ =	sdelay $0x1  }
0x229: {  	(xrf0) =	vmin.scan.msk.f32 @p2 $0xffff, v7;
	_ =	sdelay $0x2  }
0x22a: {  	(xrf0) =	vmin.scan.msk.f32 $0xffff, v6  }
0x22b: {  	v6, _, _ =	vpop @p3 (xrf0)  }
0x22c: {  	(v2sf) =	vpush @p3 v6, $0xF  }
0x22d: {  	v6, _, _ =	vpop @p2 (xrf0)  }
0x22e: {  	(v2sf) =	vpush @p2 v6, $0xF;
	_ =	sdelay $0x1  }
0x22f: {  	v6, _, _ =	vpop (xrf0)  }
0x230: {  	(v2sf) =	vpush v6, $0xF;
	_ =	sdelay $0x5  }
0x231: {  	s6 =	spop @p5 (v2sf);
	s4 =	smin.f32 @p0 s4, s5;
	s5 =	simm.f32 $1.000000000e+00  }
0x232: {  	s5 =	smov.u32 @p0 s4;
	s4 =	smov.u32 @p5 s6  }
0x233: {  	s4 =	smin.f32 @p5 s5, s4;
	s5 =	simm.f32 $1.000000000e+00;
	s6 =	spop @p4 (v2sf)  }
0x234: {  	s5 =	smov.u32 @p5 s4;
	s4 =	smov.u32 @p4 s6  }
0x235: {  	s6 =	simm.f32 $1.000000000e+00;
	s4 =	smin.f32 @p4 s5, s4;
	s5 =	spop @p3 (v2sf)  }
0x236: {  	s6 =	smov.u32 @p4 s4;
	s4 =	smov.u32 @p3 s5  }
0x237: {  	s5 =	spop @p2 (v2sf);
	s4 =	smin.f32 @p3 s6, s4;
	s6 =	simm.f32 $1.000000000e+00  }
0x238: {  	s6 =	smov.u32 @p3 s4;
	s4 =	smov.u32 @p2 s5  }
0x239: {  	s4 =	smin.f32 @p2 s6, s4  }
0x23a: {  	s12 =	smov.u32 @p2 s4;
	s23 =	spop (v2sf)  }
0x23b: {  	s4 =	smin.f32 s12, s23  }
0x23c: {  	p2 =	sgt.f32 s4, $0.0e+00  }
.LBB2_67:
0x23d: {  	p0 =	sgt.u32 s15, $0x62  }
0x23e: {  	p0 =	por p0, p2  }
.Ltmp23:
0x23f: {  	_ = 	snop;
	(pc) =	sbr.rel @p0 .LBB2_68-.Ltmp23, $2  }
0x240: {  	_ =	sdelay $0x2  }
0x241: {  	s15 =	sadd.s32 $0x1, s15  }
.LBB2_34:
0x242: {  	s4 =	smul.u32 $0x7D0, s15;
	_ =	sdelay $0x1  }
0x243: {  	s4 =	sadd.s32 s11, s4  }
0x244: {  	s16 =	sshrl.u32 s4, $0x3  }
0x245: {  	s4 =	sadd.s32 s2, s16  }
0x246: {  	[tilespmem:s22], [sflag:$0x1] =	stream.linear.gather [hbm4b:s4+s10], $0x7D0, $0x38;
	[tilespmem:$0x1E800] =	vst v63  }
0x247: {  	_ =	swait.ge [sflag:s25], $0x7D0  }
0x248: {  	[sflag:s25] =	ssyncset.done $0x0  }
0x249: {  	[sflag:s25] =	ssyncadd.s32 $0xFFFFF830  }
0x24a: {  	v6 =	vld [tilespmem:$0x1C800]  }
0x24b: {  	v7 =	vld [tilespmem:$0x1CFC0];
	_ =	sdelay $0x3  }
0x24c: {  	v6 =	vxor.u32 $0x80000000, v6  }
0x24d: {  	(xrf0) =	vmin.scan.msk.u32 $0xffff, v6;
	v6 =	vxor.u32 $0x80000000, v7  }
0x24e: {  	(xrf0) =	vmax.scan.msk.u32 $0xffff, v6;
	_ =	sdelay $0x4  }
0x24f: {  	v6, _, _ =	vpop (xrf0)  }
0x250: {  	(v2sf) =	vpush v6, $0xF;
	v6, _, _ =	vpop (xrf0)  }
0x251: {  	(v2sf) =	vpush v6, $0xF;
	_ =	sdelay $0xd  }
0x252: {  	s6 =	spop (v2sf)  }
0x253: {  	s12 =	spop (v2sf)  }
0x254: {  	s4 =	sxor.u32 $0x80000000, s6;
	s5 =	sxor.u32 $0x80000000, s12  }
0x255: {  	p0 =	sne.s32 s12, s6;
	s6 =	simm.s32 $0x1;
	s13 =	ssub.s32 s5, s4  }
0x256: {  	s6 =	simm.s32 @!p0 $0x0;
	s23 =	sshra.s32 s13, $0x1F  }
0x257: {  	s17 =	sand.u32 $0xF, s13;
	s6 =	sor.u32 s6, s23  }
0x258: {  	p1 =	sne.s32 s17, $0x0;
	p6 =	sne.s32 s6, $0x1  }
0x259: {  	s23 =	sshrl.u32 s23, $0x1C;
	p0 =	por !p1, !p6  }
0x25a: {  	s12 =	simm.s32 $0x1;
	s6 =	sadd.s32 s23, s13;
	p0 =	por !p0, !p0  }
0x25b: {  	s6 =	sshra.s32 s6, $0x4;
	s12 =	simm.s32 @!p0 $0x0  }
0x25c: {  	s12 =	ssub.s32 s6, s12  }
0x25d: {  	p1 =	slt.s32 s12, $0x0  }
.Ltmp24:
0x25e: {  	_ = 	snop;
	(pc) =	sbr.rel @p1 .LBB2_67-.Ltmp24, $2  }
0x25f: {  	_ =	sdelay $0x2  }
0x260: {  	p2 =	por $0x0, $0x0  }
0x261: {  	s12 =	simm.s32 $0xFFFFFFFF  }
0x262: {  	s12 =	simm.s32 @!p0 $0x0  }
0x263: {  	s6 =	sadd.s32 s12, s6  }
0x264: {  	s6 =	sadd.s32 $0x1, s6  }
0x265: {  	p1 =	sne.s32 s6, $0x1  }
.Ltmp25:
0x266: {  	_ = 	snop;
	(pc) =	sbr.rel @!p1 .LBB2_36-.Ltmp25, $4  }
0x267: {  	_ = 	snop  }
0x268: {  	v7 =	vmov s5;
	v6 =	vadd.s32 s4, v0;
	s4 =	sadd.s32 $0x10, s4;
	p3 =	por $0x0, $0x0  }
0x269: {  	p4 =	por $0x0, $0x0;
	p5 =	por $0x0, $0x0;
	p6 =	por $0x0, $0x0;
	vm1 =	vlt.s32 v6, v7  }
0x26a: {  	p0 =	por $0x0, $0x0;
	s12 =	simm.f32 $1.000000000e+00;
	v6 =	vsel vm1, v6, v7;
	s5 =	sadd.s32 $0xFFFFFFFF, s6  }
0x26b: {  	p1 =	sne.s32 s5, $0x1  }
.Ltmp26:
0x26c: {  	_ = 	snop;
	(pc) =	sbr.rel @!p1 .LBB2_38-.Ltmp26, $4  }
0x26d: {  	_ = 	snop  }
0x26e: {  	v9 =	vadd.s32 s4, v0  }
0x26f: {  	vm1 =	vlt.s32 v9, v7  }
0x270: {  	v8 =	vld.idx.msk [tilespmem:v6+s28+$0x0], $0xffff;
	s5 =	sadd.s32 $0xFFFFFFFF, s5;
	s4 =	sadd.s32 $0x10, s4;
	p3 =	por $0x1, $0x1;
	v6 =	vsel vm1, v9, v7  }
0x271: {  	p1 =	sne.s32 s5, $0x1  }
.Ltmp27:
0x272: {  	_ = 	snop;
	(pc) =	sbr.rel @!p1 .LBB2_40-.Ltmp27, $4  }
0x273: {  	_ = 	snop  }
0x274: {  	v10 =	vadd.s32 s4, v0  }
0x275: {  	vm1 =	vlt.s32 v10, v7  }
0x276: {  	v9 =	vld.idx.msk [tilespmem:v6+s28+$0x0], $0xffff;
	s5 =	sadd.s32 $0xFFFFFFFF, s5;
	s4 =	sadd.s32 $0x10, s4;
	p4 =	por $0x1, $0x1;
	v6 =	vsel vm1, v10, v7;
	(xrf0) =	vmin.scan.msk.f32 $0xffff, v8  }
0x277: {  	_ = 	snop  }
0x278: {  	p1 =	sne.s32 s5, $0x1  }
.Ltmp28:
0x279: {  	_ = 	snop;
	(pc) =	sbr.rel @!p1 .LBB2_42-.Ltmp28, $4  }
0x27a: {  	_ = 	snop  }
0x27b: {  	v10 =	vadd.s32 s4, v0  }
0x27c: {  	vm1 =	vlt.s32 v10, v7;
	v11, _, _ =	vpop (xrf0)  }
0x27d: {  	v8 =	vld.idx.msk [tilespmem:v6+s28+$0x0], $0xffff;
	s5 =	sadd.s32 $0xFFFFFFFF, s5;
	s4 =	sadd.s32 $0x10, s4;
	p5 =	por $0x1, $0x1;
	v6 =	vsel vm1, v10, v7;
	(xrf0) =	vmin.scan.msk.f32 $0xffff, v9;
	(v2sf) =	vpush v11, $0xF  }
0x27e: {  	_ =	sdelay $0x4  }
0x27f: {  	v11, _, _ =	vpop (xrf0)  }
0x280: {  	(v2sf) =	vpush v11, $0xF;
	_ =	sdelay $0x3  }
0x281: {  	p1 =	sne.s32 s5, $0x1  }
.Ltmp29:
0x282: {  	_ = 	snop;
	(pc) =	sbr.rel @!p1 .LBB2_44-.Ltmp29, $4  }
0x283: {  	_ = 	snop  }
0x284: {  	v10 =	vadd.s32 s4, v0  }
0x285: {  	vm1 =	vlt.s32 v10, v7  }
0x286: {  	v9 =	vld.idx.msk [tilespmem:v6+s28+$0x0], $0xffff;
	s5 =	sadd.s32 $0xFFFFFFFF, s5;
	s4 =	sadd.s32 $0x10, s4;
	p6 =	por $0x1, $0x1;
	v6 =	vsel vm1, v10, v7;
	(xrf0) =	vmin.scan.msk.f32 $0xffff, v8  }
0x287: {  	_ =	sdelay $0x4  }
0x288: {  	v11, _, _ =	vpop (xrf0)  }
0x289: {  	(v2sf) =	vpush v11, $0xF;
	_ =	sdelay $0x2  }
0x28a: {  	v10 =	vadd.s32 s4, v0;
	p1 =	sne.s32 s5, $0x1  }
.Ltmp30:
0x28b: {  	vm1 =	vlt.s32 v10, v7;
	(xrf0) =	vmin.scan.msk.f32 $0xffff, v9;
	(pc) =	sbr.rel @!p1 .LBB2_46-.Ltmp30, $3  }
0x28c: {  	v8 =	vld.idx.msk [tilespmem:v6+s28+$0x0], $0xffff;
	v6 =	vsel vm1, v10, v7;
	_ =	sdelay $0x1  }
0x28d: {  	s6 =	sadd.s32 $0xFFFFFFFF, s5;
	s13 =	sadd.s32 $0x10, s4  }
0x28e: {  	s5 =	spop (v2sf);
	p0 =	por $0x1, $0x1;
	s4 =	simm.f32 $1.000000000e+00  }
.LBB2_47:
0x28f: {  	v9 =	vadd.s32 s13, v0;
	p1 =	sne.s32 s6, $0x1;
	s6 =	sadd.s32 $0xFFFFFFFF, s6;
	s4 =	smin.f32 s4, s5  }
.Ltmp31:
0x290: {  	vm1 =	vlt.s32 v9, v7;
	(xrf0) =	vmin.scan.msk.f32 $0xffff, v8;
	v8 =	vld.idx.msk [tilespmem:v6+s28+$0x0], $0xffff;
	v10, _, _ =	vpop (xrf0);
	(pc) =	sbr.rel @p1 .LBB2_47-.Ltmp31, $2  }
0x291: {  	v6 =	vsel vm1, v9, v7;
	(v2sf) =	vpush v10, $0xF;
	_ =	sdelay $0x3  }
0x292: {  	s13 =	sadd.s32 $0x10, s13;
	s5 =	spop (v2sf)  }
0x293: {  	_ = 	snop  }
.LBB2_49:
0x294: {  	_ =	sdelay $0x3  }
0x295: {  	v6 =	vld.idx.msk [tilespmem:v6+s28+$0x0], $0xffff;
	_ =	sdelay $0x1  }
0x296: {  	(xrf0) =	vmin.scan.msk.f32 @p3 $0xffff, v8;
	_ =	sdelay $0x2  }
0x297: {  	(xrf0) =	vmin.scan.msk.f32 $0xffff, v6  }
0x298: {  	v6, _, _ =	vpop @p4 (xrf0)  }
0x299: {  	(v2sf) =	vpush @p4 v6, $0xF  }
0x29a: {  	v6, _, _ =	vpop @p3 (xrf0)  }
0x29b: {  	(v2sf) =	vpush @p3 v6, $0xF;
	_ =	sdelay $0x1  }
0x29c: {  	v6, _, _ =	vpop (xrf0)  }
0x29d: {  	(v2sf) =	vpush v6, $0xF;
	_ =	sdelay $0x5  }
0x29e: {  	s6 =	spop @p6 (v2sf);
	s4 =	smin.f32 @p0 s4, s5;
	s5 =	simm.f32 $1.000000000e+00  }
0x29f: {  	s5 =	smov.u32 @p0 s4;
	s4 =	smov.u32 @p6 s6  }
0x2a0: {  	s4 =	smin.f32 @p6 s5, s4;
	s5 =	simm.f32 $1.000000000e+00;
	s6 =	spop @p5 (v2sf)  }
0x2a1: {  	s5 =	smov.u32 @p6 s4;
	s4 =	smov.u32 @p5 s6  }
0x2a2: {  	s6 =	simm.f32 $1.000000000e+00;
	s4 =	smin.f32 @p5 s5, s4;
	s5 =	spop @p4 (v2sf)  }
0x2a3: {  	s6 =	smov.u32 @p5 s4;
	s4 =	smov.u32 @p4 s5  }
0x2a4: {  	s5 =	spop @p3 (v2sf);
	s4 =	smin.f32 @p4 s6, s4;
	s6 =	simm.f32 $1.000000000e+00  }
0x2a5: {  	s6 =	smov.u32 @p4 s4;
	s4 =	smov.u32 @p3 s5  }
0x2a6: {  	s4 =	smin.f32 @p3 s6, s4  }
0x2a7: {  	s12 =	smov.u32 @p3 s4;
	s23 =	spop (v2sf)  }
0x2a8: {  	s4 =	smin.f32 s12, s23  }
0x2a9: {  	p0 =	sgt.f32 s4, $0.0e+00  }
.Ltmp32:
0x2aa: {  	_ = 	snop;
	(pc) =	sbr.rel @p0 .LBB2_67-.Ltmp32, $1  }
0x2ab: {  	_ =	sdelay $0x3  }
0x2ac: {  	s5 =	sadd.s32 s18, s16;
	s4 =	simm.s32 $0x0  }
0x2ad: {  	[tilespmem:s3], [sflag:$0x1] =	stream.linear.gather [hbm4b:s5+s4], $0x7D0, $0x38;
	[tilespmem:$0x1E800] =	vst v63  }
0x2ae: {  	s17 =	sadd.s32 s19, s16  }
0x2af: {  	[tilespmem:s31], [sflag:$0x1] =	stream.linear.gather [hbm4b:s17+s4], $0x7D0, $0x38;
	[tilespmem:$0x1E800] =	vst v63  }
0x2b0: {  	s23 =	sadd.s32 s24, s16;
	s6 =	simm.s32 $0x1E000  }
0x2b1: {  	[tilespmem:s6], [sflag:$0x1] =	stream.linear.gather [hbm4b:s23+s4], $0x7D0, $0x38;
	[tilespmem:$0x1E800] =	vst v63  }
0x2b2: {  	_ =	swait.ge [sflag:s25], $0x7D0  }
0x2b3: {  	[sflag:s25] =	ssyncset.done $0x0  }
0x2b4: {  	[sflag:s25] =	ssyncadd.s32 $0xFFFFF830  }
0x2b5: {  	_ =	swait.ge [sflag:s25], $0x7D0  }
0x2b6: {  	[sflag:s25] =	ssyncset.done $0x0  }
0x2b7: {  	[sflag:s25] =	ssyncadd.s32 $0xFFFFF830  }
0x2b8: {  	_ =	swait.ge [sflag:s25], $0x7D0  }
0x2b9: {  	[sflag:s25] =	ssyncset.done $0x0  }
0x2ba: {  	[sflag:s25] =	ssyncadd.s32 $0xFFFFF830  }
.LBB2_51:
0x2bb: {  	s5 =	sshra.s32 s4, $0x2  }
0x2bc: {  	v6 =	vld [tilespmem:s5+$0x1C800];
	_ =	sdelay $0x1  }
0x2bd: {  	v7 =	vld [tilespmem:s5+$0x1D000]  }
0x2be: {  	v8 =	vld [tilespmem:s5+$0x1D800];
	_ =	sdelay $0x1  }
0x2bf: {  	v9 =	vmul.u32 $0x3E8, v6;
	_ =	sdelay $0x1  }
0x2c0: {  	v7 =	vadd.s32 v7, v9  }
0x2c1: {  	v8 =	vadd.s32 v9, v8;
	_ =	sdelay $0x3  }
0x2c2: {  	v7 =	vld.idx.msk [tilespmem:v7+s9+$0x0], $0xffff  }
0x2c3: {  	v8 =	vld.idx.msk [tilespmem:v8+s9+$0x0], $0xffff;
	_ =	sdelay $0x3  }
0x2c4: {  	v63 =	vld [tilespmem:s5+$0x1E000]  }
0x2c5: {  	v7 =	vadd.f32 v8, v7;
	_ =	sdelay $0x1  }
0x2c6: {  	v7 =	vmul.f32 v7, v7;
	_ =	sdelay $0x1  }
0x2c7: {  	vm1 =	vge.f32 v7, v63  }
0x2c8: {  	p0 =	sne.s32 s4, $0x1F00  }
.Ltmp33:
0x2c9: {  	_ = 	snop;
	(pc) =	sbr.rel @p0 .LBB2_51-.Ltmp33, $2  }
0x2ca: {  	_ =	sdelay $0x2  }
0x2cb: {  	s4 =	sadd.s32 $0x40, s4;
	[tilespmem:v6+s28+$0x0] =	vst.idx.msk vm1, v2  }
0x2cc: {  	s4 =	sld [smem:$0x7FC];
	_ =	sdelay $0x2  }
0x2cd: {  	p1 =	seq.s32 s4, $0x1  }
.Ltmp34:
0x2ce: {  	_ = 	snop;
	(pc) =	sbr.rel @!p1 .LBB2_53-.Ltmp34, $3  }
0x2cf: {  	_ =	sdelay $0x1  }
0x2d0: {  	s12 =	simm.f32 $1.000000000e+00;
	p2 =	por $0x0, $0x0;
	p3 =	por $0x0, $0x0  }
0x2d1: {  	v6 =	vsel vm0, v5, v4;
	p4 =	por $0x0, $0x0;
	p5 =	por $0x0, $0x0;
	p0 =	por $0x0, $0x0  }
0x2d2: {  	p1 =	sne.s32 s7, $0x1  }
.Ltmp35:
0x2d3: {  	_ = 	snop;
	(pc) =	sbr.rel @!p1 .LBB2_55-.Ltmp35, $4  }
0x2d4: {  	_ = 	snop  }
0x2d5: {  	v8 =	vadd.s32 s8, v0  }
0x2d6: {  	vm1 =	vlt.s32 v8, v4  }
0x2d7: {  	v7 =	vld.idx.msk [tilespmem:v6+s28+$0x0], $0xffff;
	s5 =	sadd.s32 $0xFFFFFFFF, s7;
	s4 =	sadd.s32 $0x10, s8;
	p2 =	por $0x1, $0x1;
	v6 =	vsel vm1, v8, v4  }
0x2d8: {  	p1 =	sne.s32 s5, $0x1  }
.Ltmp36:
0x2d9: {  	_ = 	snop;
	(pc) =	sbr.rel @!p1 .LBB2_57-.Ltmp36, $4  }
0x2da: {  	_ = 	snop  }
0x2db: {  	v9 =	vadd.s32 s4, v0  }
0x2dc: {  	vm1 =	vlt.s32 v9, v4  }
0x2dd: {  	v8 =	vld.idx.msk [tilespmem:v6+s28+$0x0], $0xffff;
	s5 =	sadd.s32 $0xFFFFFFFF, s5;
	s4 =	sadd.s32 $0x10, s4;
	p3 =	por $0x1, $0x1;
	v6 =	vsel vm1, v9, v4;
	(xrf0) =	vmin.scan.msk.f32 $0xffff, v7  }
0x2de: {  	_ = 	snop  }
0x2df: {  	p1 =	sne.s32 s5, $0x1  }
.Ltmp37:
0x2e0: {  	_ = 	snop;
	(pc) =	sbr.rel @!p1 .LBB2_59-.Ltmp37, $4  }
0x2e1: {  	_ = 	snop  }
0x2e2: {  	v9 =	vadd.s32 s4, v0  }
0x2e3: {  	vm1 =	vlt.s32 v9, v4;
	v10, _, _ =	vpop (xrf0)  }
0x2e4: {  	v7 =	vld.idx.msk [tilespmem:v6+s28+$0x0], $0xffff;
	s5 =	sadd.s32 $0xFFFFFFFF, s5;
	s4 =	sadd.s32 $0x10, s4;
	p4 =	por $0x1, $0x1;
	v6 =	vsel vm1, v9, v4;
	(xrf0) =	vmin.scan.msk.f32 $0xffff, v8;
	(v2sf) =	vpush v10, $0xF  }
0x2e5: {  	_ =	sdelay $0x4  }
0x2e6: {  	v10, _, _ =	vpop (xrf0)  }
0x2e7: {  	(v2sf) =	vpush v10, $0xF;
	_ =	sdelay $0x3  }
0x2e8: {  	p1 =	sne.s32 s5, $0x1  }
.Ltmp38:
0x2e9: {  	_ = 	snop;
	(pc) =	sbr.rel @!p1 .LBB2_61-.Ltmp38, $4  }
0x2ea: {  	_ = 	snop  }
0x2eb: {  	v9 =	vadd.s32 s4, v0  }
0x2ec: {  	vm1 =	vlt.s32 v9, v4  }
0x2ed: {  	v8 =	vld.idx.msk [tilespmem:v6+s28+$0x0], $0xffff;
	s5 =	sadd.s32 $0xFFFFFFFF, s5;
	s4 =	sadd.s32 $0x10, s4;
	p5 =	por $0x1, $0x1;
	v6 =	vsel vm1, v9, v4;
	(xrf0) =	vmin.scan.msk.f32 $0xffff, v7  }
0x2ee: {  	_ =	sdelay $0x4  }
0x2ef: {  	v10, _, _ =	vpop (xrf0)  }
0x2f0: {  	(v2sf) =	vpush v10, $0xF;
	_ =	sdelay $0x2  }
0x2f1: {  	v9 =	vadd.s32 s4, v0;
	p1 =	sne.s32 s5, $0x1  }
.Ltmp39:
0x2f2: {  	vm1 =	vlt.s32 v9, v4;
	(xrf0) =	vmin.scan.msk.f32 $0xffff, v8;
	(pc) =	sbr.rel @!p1 .LBB2_63-.Ltmp39, $3  }
0x2f3: {  	v7 =	vld.idx.msk [tilespmem:v6+s28+$0x0], $0xffff;
	v6 =	vsel vm1, v9, v4;
	_ =	sdelay $0x1  }
0x2f4: {  	s6 =	sadd.s32 $0xFFFFFFFF, s5;
	s13 =	sadd.s32 $0x10, s4  }
0x2f5: {  	s5 =	spop (v2sf);
	p0 =	por $0x1, $0x1;
	s4 =	simm.f32 $1.000000000e+00  }
.LBB2_64:
0x2f6: {  	v8 =	vadd.s32 s13, v0;
	p1 =	sne.s32 s6, $0x1;
	s6 =	sadd.s32 $0xFFFFFFFF, s6;
	s4 =	smin.f32 s4, s5  }
.Ltmp40:
0x2f7: {  	vm1 =	vlt.s32 v8, v4;
	(xrf0) =	vmin.scan.msk.f32 $0xffff, v7;
	v7 =	vld.idx.msk [tilespmem:v6+s28+$0x0], $0xffff;
	v9, _, _ =	vpop (xrf0);
	(pc) =	sbr.rel @p1 .LBB2_64-.Ltmp40, $2  }
0x2f8: {  	v6 =	vsel vm1, v8, v4;
	(v2sf) =	vpush v9, $0xF;
	_ =	sdelay $0x3  }
0x2f9: {  	s13 =	sadd.s32 $0x10, s13;
	s5 =	spop (v2sf)  }
.Ltmp41:
0x2fa: {  	(pc) =	sbr.rel .LBB2_66-.Ltmp41, $1  }
0x2fb: {  	_ =	sdelay $0x3  }
.LBB2_36:
.Ltmp42:
0x2fc: {  	(pc) =	sbr.rel .LBB2_49-.Ltmp42, $2  }
0x2fd: {  	_ =	sdelay $0x2  }
0x2fe: {  	s4 =	simm.f32 $1.000000000e+00  }
.LBB2_38:
.Ltmp43:
0x2ff: {  	(pc) =	sbr.rel .LBB2_49-.Ltmp43, $2  }
0x300: {  	_ =	sdelay $0x2  }
0x301: {  	s4 =	simm.f32 $1.000000000e+00  }
.LBB2_40:
.Ltmp44:
0x302: {  	_ = 	snop;
	(pc) =	sbr.rel .LBB2_49-.Ltmp44, $2  }
0x303: {  	_ =	sdelay $0x2  }
0x304: {  	s4 =	simm.f32 $1.000000000e+00;
	v8 =	vmov v9  }
.LBB2_42:
.Ltmp45:
0x305: {  	(pc) =	sbr.rel .LBB2_49-.Ltmp45, $2  }
0x306: {  	_ =	sdelay $0x2  }
0x307: {  	s4 =	simm.f32 $1.000000000e+00  }
.LBB2_44:
.Ltmp46:
0x308: {  	_ = 	snop;
	(pc) =	sbr.rel .LBB2_49-.Ltmp46, $2  }
0x309: {  	_ =	sdelay $0x2  }
0x30a: {  	s4 =	simm.f32 $1.000000000e+00;
	v8 =	vmov v9  }
.LBB2_46:
.Ltmp47:
0x30b: {  	(pc) =	sbr.rel .LBB2_49-.Ltmp47, $2  }
0x30c: {  	_ =	sdelay $0x2  }
0x30d: {  	s4 =	simm.f32 $1.000000000e+00  }
.LBB2_55:
.Ltmp48:
0x30e: {  	(pc) =	sbr.rel .LBB2_66-.Ltmp48, $2  }
0x30f: {  	_ =	sdelay $0x2  }
0x310: {  	s4 =	simm.f32 $1.000000000e+00  }
.LBB2_57:
.Ltmp49:
0x311: {  	_ = 	snop;
	(pc) =	sbr.rel .LBB2_66-.Ltmp49, $2  }
0x312: {  	_ =	sdelay $0x2  }
0x313: {  	s4 =	simm.f32 $1.000000000e+00;
	v7 =	vmov v8  }
.LBB2_59:
.Ltmp50:
0x314: {  	(pc) =	sbr.rel .LBB2_66-.Ltmp50, $2  }
0x315: {  	_ =	sdelay $0x2  }
0x316: {  	s4 =	simm.f32 $1.000000000e+00  }
.LBB2_61:
.Ltmp51:
0x317: {  	_ = 	snop;
	(pc) =	sbr.rel .LBB2_66-.Ltmp51, $2  }
0x318: {  	_ =	sdelay $0x2  }
0x319: {  	s4 =	simm.f32 $1.000000000e+00;
	v7 =	vmov v8  }
.LBB2_63:
.Ltmp52:
0x31a: {  	(pc) =	sbr.rel .LBB2_66-.Ltmp52, $2  }
0x31b: {  	_ =	sdelay $0x2  }
0x31c: {  	s4 =	simm.f32 $1.000000000e+00  }
.LBB2_16:
.Ltmp53:
0x31d: {  	(pc) =	sbr.rel .LBB2_29-.Ltmp53, $2  }
0x31e: {  	_ =	sdelay $0x2  }
0x31f: {  	s4 =	simm.f32 $1.000000000e+00  }
.LBB2_18:
.Ltmp54:
0x320: {  	(pc) =	sbr.rel .LBB2_29-.Ltmp54, $2  }
0x321: {  	_ =	sdelay $0x2  }
0x322: {  	s4 =	simm.f32 $1.000000000e+00  }
.LBB2_20:
.Ltmp55:
0x323: {  	_ = 	snop;
	(pc) =	sbr.rel .LBB2_29-.Ltmp55, $2  }
0x324: {  	_ =	sdelay $0x2  }
0x325: {  	s4 =	simm.f32 $1.000000000e+00;
	v7 =	vmov v8  }
.LBB2_22:
.Ltmp56:
0x326: {  	(pc) =	sbr.rel .LBB2_29-.Ltmp56, $2  }
0x327: {  	_ =	sdelay $0x2  }
0x328: {  	s4 =	simm.f32 $1.000000000e+00  }
.LBB2_24:
.Ltmp57:
0x329: {  	_ = 	snop;
	(pc) =	sbr.rel .LBB2_29-.Ltmp57, $2  }
0x32a: {  	_ =	sdelay $0x2  }
0x32b: {  	s4 =	simm.f32 $1.000000000e+00;
	v7 =	vmov v8  }
.LBB2_26:
.Ltmp58:
0x32c: {  	(pc) =	sbr.rel .LBB2_29-.Ltmp58, $2  }
0x32d: {  	_ =	sdelay $0x2  }
0x32e: {  	s4 =	simm.f32 $1.000000000e+00  }
.LBB2_69:
0x32f: {  	_ =	sfence.sel $0x180000  }
0x330: {  	[bflag:$0x0] =	sbarrier.arrive $0xFFFF  }
0x331: {  	_ =	strace $0x90000047  }
0x332: {  	s0 =	stileid.u32;
	[bflag:$0x2] =	sbarrier.arrive $0xFFFF  }
0x333: {  	p0 =	sne.s32 s0, $0x0;
	s0 =	rddreg [dreg:$0x9]  }
0x334: {  	s0 =	sadd.s32 @!p0 $0x100000, s0  }
0x335: {  	[sflag:s0] =	ssyncadd.tile.s32 @!p0 $0x1;
	_ =	shalt  }
.Lfunc_end2:
_tile_overlayer_lowered:
.L_overlay_start_2:
0x336: {  	(tag) =	ssettag $0x2  }
0x337: {  	s0 =	rddreg [dreg:$0x0];
	s2 =	stileid.u32  }
0x338: {  	s1 =	rddreg [dreg:$0x1];
	p0 =	sne.s32 s2, $0x0  }
0x339: {  	s3 =	rddreg [dreg:$0x2];
	[bflag:$0x3] =	sbarrier.arrive $0xFFFF;
	s2 =	simm.s32 @!p0 $0x1C02  }
0x33a: {  	[timem:s3], [sflag:s2] =	dma.local @!p0 [hbm:s0], s1  }
0x33b: {  	s0 =	simm.s32 @!p0 $0x2  }
0x33c: {  	_ =	swait.ge @!p0 [sflag:s0], s1  }
0x33d: {  	s1 =	ssub.s32 @!p0 $0x0, s1;
	[sflag:s0] =	ssyncset.done @!p0 $0x0  }
0x33e: {  	[sflag:s0] =	ssyncadd.s32 @!p0 s1  }
0x33f: {  	[bflag:$0x3] =	sbarrier.arrive $0xFFFF  }
0x340: {  	_ =	shalt  }

</sc_bundles>
